<compile_context>
chip_gen: v7x
topology: tpu7x:2x2x1
jax: 0.10.2.dev20260603
libtpu: 0.0.44.dev20260713+nightly
codegen_flags: <defaults>
</compile_context>

<pallas_src>
import functools

import jax
import jax.numpy as jnp
from jax import lax
from jax.experimental import pallas as pl
from jax.experimental.pallas import tpu as pltpu
from jax.experimental.pallas import tpu_sc as plsc

NUM_CLS = 100
HIST = NUM_CLS * NUM_CLS


def _argmax_body(ypt_ref, yt_ref, out_ref):
    x = ypt_ref[...]
    t = yt_ref[...]
    m = jnp.max(x, axis=0, keepdims=True)
    iota = lax.broadcasted_iota(jnp.int32, x.shape, 0).astype(jnp.float32)
    sel = jnp.where(x == m, iota, float(NUM_CLS))
    pred = jnp.min(sel, axis=0).astype(jnp.int32)
    out_ref[...] = t * 128 + pred


def _hist_body(nc, perw, keys_hbm, out_hbm, kv, hist):
    wid = lax.axis_index("s") * nc + lax.axis_index("c")
    base = wid * perw

    zeros16 = jnp.zeros((16,), jnp.float32)

    def zero_body(i, carry):
        for j in range(128 // 16):
            hist[i, pl.ds(j * 16, 16)] = zeros16
        return carry

    lax.fori_loop(0, NUM_CLS, zero_body, 0)

    pltpu.sync_copy(keys_hbm.at[pl.ds(base, perw)], kv)

    ones16 = jnp.ones((16,), jnp.float32)
    unroll = 4

    def body(i, carry):
        for j in range(unroll):
            k = kv[pl.ds((i * unroll + j) * 16, 16)]
            hi = k >> 7
            lo = k & 127
            plsc.addupdate_scatter(hist, [hi, lo], ones16)
        return carry

    lax.fori_loop(0, perw // (16 * unroll), body, 0)

    pltpu.sync_copy(hist, out_hbm.at[wid])


def _f1_body(*refs):
    *h_refs, o_ref = refs
    cm = sum(jnp.sum(h[...], axis=0) for h in h_refs)
    ii = lax.broadcasted_iota(jnp.int32, cm.shape, 0)
    jj = lax.broadcasted_iota(jnp.int32, cm.shape, 1)
    diag = jnp.sum(jnp.where(ii == jj, cm, 0.0), axis=1, keepdims=True)
    rows = jnp.sum(cm, axis=1, keepdims=True)
    ones_col = jnp.ones((NUM_CLS, 1), jnp.float32)
    cols = lax.dot_general(cm, ones_col, (((0,), (0,)), ((), ())),
                           preferred_element_type=jnp.float32)
    cols = lax.slice(cols, (0, 0), (NUM_CLS, 1))
    precision = diag / (rows + 1e-12)
    recall = diag / (cols + 1e-12)
    f1 = 2.0 * precision * recall / (precision + recall + 1e-12)
    o_ref[...] = jnp.sum(f1, axis=(0, 1), keepdims=True) / NUM_CLS


def kernel(y_pred, y_true):
    n, c = y_pred.shape
    assert c == NUM_CLS

    nchunk = 2
    rows = n // nchunk

    blk = 32768
    grid = rows // blk
    ypt = y_pred.T

    mesh = plsc.VectorSubcoreMesh(core_axis_name="c", subcore_axis_name="s")
    nw = mesh.num_cores * mesh.num_subcores
    perw = rows // nw
    hist_kernel = pl.kernel(
        functools.partial(_hist_body, mesh.num_cores, perw),
        out_type=jax.ShapeDtypeStruct((nw, NUM_CLS, 128), jnp.float32),
        mesh=mesh,
        scratch_types=[
            pltpu.VMEM((perw,), jnp.int32),
            pltpu.VMEM((NUM_CLS, 128), jnp.float32),
        ],
        compiler_params=pltpu.CompilerParams(needs_layout_passes=False),
    )

    hists = []
    for ci in range(nchunk):
        off = ci * grid
        keys = pl.pallas_call(
            _argmax_body,
            grid=(grid,),
            in_specs=[
                pl.BlockSpec((c, blk), lambda i, off=off: (0, off + i)),
                pl.BlockSpec((blk,), lambda i, off=off: (off + i,)),
            ],
            out_specs=pl.BlockSpec((blk,), lambda i: (i,)),
            out_shape=jax.ShapeDtypeStruct((rows,), jnp.int32),
        )(ypt, y_true)
        hists.append(hist_kernel(keys))

    out = pl.pallas_call(
        _f1_body,
        out_shape=jax.ShapeDtypeStruct((1, 1), jnp.float32),
    )(*hists)
    return out[0, 0]

# --- scband reference (transcript-rebuilt; emitter-appended) ---
"""Pipeline reference for scband-f1-score-455266533888 (READ-ONLY COPY).

The authoritative reference and input builder live on the scoring server;
editing this copy changes nothing except your own understanding.
"""

import jax, jax.numpy as jnp
import numpy as np

NUM_CLASSES = 100
N = 1048576


def setup_inputs(seed: int = 0) -> dict:
    key = jax.random.key(seed)
    k1, k2 = jax.random.split(key)
    y_pred = jax.random.normal(k1, (N, NUM_CLASSES), dtype=jnp.float32)
    y_true = jax.random.randint(k2, (N,), 0, NUM_CLASSES, dtype=jnp.int32)
    return {"y_pred": y_pred, "y_true": y_true}


def reference(y_pred, y_true):
    # argmax over classes (replaces torch.argmax)
    pred = jnp.argmax(y_pred, axis=1)
    # confusion matrix via scatter-add (replaces the python loop):
    # confusion_matrix[t, p] += 1 for each (t, p) pair
    cm = jnp.zeros((NUM_CLASSES, NUM_CLASSES), dtype=jnp.float32)
    cm = cm.at[y_true, pred].add(1.0)
    diag = jnp.diagonal(cm)
    precision = diag / (cm.sum(axis=1) + 1e-12)
    recall = diag / (cm.sum(axis=0) + 1e-12)
    f1 = 2.0 * precision * recall / (precision + recall + 1e-12)
    # average == 'macro'
    return jnp.mean(f1)

if __name__ == "__main__":
    import jax
    _d = setup_inputs()
    print(jax.jit(kernel)(*tuple(_d.values())))

</pallas_src>

<mosaic_0001>
#map = affine_map<(d0, d1) -> (0)>
#map1 = affine_map<(d0, d1) -> (0, 0, 0)>
module attributes {stable_mosaic.version = 14 : i64} {
  func.func @_hist_body(%arg0: i32, %arg1: i32, %arg2: memref<524288xi32, #tpu.memory_space<hbm>>, %arg3: memref<32x100x128xf32, #tpu.memory_space<hbm>>, %arg4: memref<16384xi32, #tpu.memory_space<vmem>>, %arg5: memref<100x128xf32, #tpu.memory_space<vmem>>) attributes {dimension_semantics = [#tpu.dimension_semantics<core_parallel>, #tpu.dimension_semantics<subcore_parallel>], iteration_bounds = array<i64: 2, 16>, scalar_prefetch = 0 : i64, scratch_operands = 2 : i64, tpu.core_type = #tpu.core_type<sc_vector_subcore>, window_params = [{transform_indices = #map}, {transform_indices = #map1}]} {
    %mul3A = arith.constant 2 : i32
    %mul3A_0 = arith.muli %arg1, %mul3A : i32
    %add3A = arith.addi %mul3A_0, %arg0 : i32
    %mul3A_1 = arith.constant 16384 : i32
    %mul3A_2 = arith.muli %add3A, %mul3A_1 : i32
    %broadcast_in_dim3A = arith.constant 0.000000e+00 : f32
    %broadcast_in_dim3A_3 = vector.broadcast %broadcast_in_dim3A : f32 to vector<16xf32>
    %scan3A = arith.constant 0 : i32
    %scan3A_4 = arith.constant 0 : i32
    %scan3A_5 = arith.constant 100 : i32
    %scan3A_6 = arith.addi %scan3A_4, %scan3A_5 : i32
    %scan3A_7 = arith.constant 1 : i32
    scf.for %scan3A_17 = %scan3A_4 to %scan3A_6 step %scan3A_7  : i32 {
      %swap3A = arith.index_cast %scan3A_17 : i32 to index
      %swap3A_18 = arith.constant 0 : index
      %swap3A_19 = tpu.vector_load %arg5[%swap3A, %swap3A_18] {strides = array<i32>} : memref<100x128xf32, #tpu.memory_space<vmem>>, vector<16xf32>,
      tpu.vector_store %arg5[%swap3A, %swap3A_18], %broadcast_in_dim3A_3 {strides = array<i32>} : memref<100x128xf32, #tpu.memory_space<vmem>>, vector<16xf32>,
      %swap3A_20 = arith.index_cast %scan3A_17 : i32 to index
      %swap3A_21 = arith.constant 16 : index
      %swap3A_22 = tpu.vector_load %arg5[%swap3A_20, %swap3A_21] {strides = array<i32>} : memref<100x128xf32, #tpu.memory_space<vmem>>, vector<16xf32>,
      tpu.vector_store %arg5[%swap3A_20, %swap3A_21], %broadcast_in_dim3A_3 {strides = array<i32>} : memref<100x128xf32, #tpu.memory_space<vmem>>, vector<16xf32>,
      %swap3A_23 = arith.index_cast %scan3A_17 : i32 to index
      %swap3A_24 = arith.constant 32 : index
      %swap3A_25 = tpu.vector_load %arg5[%swap3A_23, %swap3A_24] {strides = array<i32>} : memref<100x128xf32, #tpu.memory_space<vmem>>, vector<16xf32>,
      tpu.vector_store %arg5[%swap3A_23, %swap3A_24], %broadcast_in_dim3A_3 {strides = array<i32>} : memref<100x128xf32, #tpu.memory_space<vmem>>, vector<16xf32>,
      %swap3A_26 = arith.index_cast %scan3A_17 : i32 to index
      %swap3A_27 = arith.constant 48 : index
      %swap3A_28 = tpu.vector_load %arg5[%swap3A_26, %swap3A_27] {strides = array<i32>} : memref<100x128xf32, #tpu.memory_space<vmem>>, vector<16xf32>,
      tpu.vector_store %arg5[%swap3A_26, %swap3A_27], %broadcast_in_dim3A_3 {strides = array<i32>} : memref<100x128xf32, #tpu.memory_space<vmem>>, vector<16xf32>,
      %swap3A_29 = arith.index_cast %scan3A_17 : i32 to index
      %swap3A_30 = arith.constant 64 : index
      %swap3A_31 = tpu.vector_load %arg5[%swap3A_29, %swap3A_30] {strides = array<i32>} : memref<100x128xf32, #tpu.memory_space<vmem>>, vector<16xf32>,
      tpu.vector_store %arg5[%swap3A_29, %swap3A_30], %broadcast_in_dim3A_3 {strides = array<i32>} : memref<100x128xf32, #tpu.memory_space<vmem>>, vector<16xf32>,
      %swap3A_32 = arith.index_cast %scan3A_17 : i32 to index
      %swap3A_33 = arith.constant 80 : index
      %swap3A_34 = tpu.vector_load %arg5[%swap3A_32, %swap3A_33] {strides = array<i32>} : memref<100x128xf32, #tpu.memory_space<vmem>>, vector<16xf32>,
      tpu.vector_store %arg5[%swap3A_32, %swap3A_33], %broadcast_in_dim3A_3 {strides = array<i32>} : memref<100x128xf32, #tpu.memory_space<vmem>>, vector<16xf32>,
      %swap3A_35 = arith.index_cast %scan3A_17 : i32 to index
      %swap3A_36 = arith.constant 96 : index
      %swap3A_37 = tpu.vector_load %arg5[%swap3A_35, %swap3A_36] {strides = array<i32>} : memref<100x128xf32, #tpu.memory_space<vmem>>, vector<16xf32>,
      tpu.vector_store %arg5[%swap3A_35, %swap3A_36], %broadcast_in_dim3A_3 {strides = array<i32>} : memref<100x128xf32, #tpu.memory_space<vmem>>, vector<16xf32>,
      %swap3A_38 = arith.index_cast %scan3A_17 : i32 to index
      %swap3A_39 = arith.constant 112 : index
      %swap3A_40 = tpu.vector_load %arg5[%swap3A_38, %swap3A_39] {strides = array<i32>} : memref<100x128xf32, #tpu.memory_space<vmem>>, vector<16xf32>,
      tpu.vector_store %arg5[%swap3A_38, %swap3A_39], %broadcast_in_dim3A_3 {strides = array<i32>} : memref<100x128xf32, #tpu.memory_space<vmem>>, vector<16xf32>,
    }
    %scan3A_8 = arith.constant 100 : i32
    "tpu.region"() ({
      %run_scoped3A = tpu.sem_alloc : memref<!tpu.dma_semaphore, #tpu.memory_space<semaphore_mem>>
      %dma_start3A = tpu.memref_slice %arg2[%mul3A_2] : memref<524288xi32, #tpu.memory_space<hbm>> -> memref<16384xi32, #tpu.memory_space<hbm>>
      %dma_start3A_17 = tpu.memref_slice %arg2[%mul3A_2] : memref<524288xi32, #tpu.memory_space<hbm>> -> memref<16384xi32, #tpu.memory_space<hbm>>
      tpu.enqueue_dma source(%dma_start3A_17 : memref<16384xi32, #tpu.memory_space<hbm>>) target(%arg4 : memref<16384xi32, #tpu.memory_space<vmem>>) target_semaphore(%run_scoped3A : memref<!tpu.dma_semaphore, #tpu.memory_space<semaphore_mem>>)
      %dma_wait3A = tpu.memref_slice %arg2[%mul3A_2] : memref<524288xi32, #tpu.memory_space<hbm>> -> memref<16384xi32, #tpu.memory_space<hbm>>
      %dma_wait3A_18 = tpu.memref_slice %arg2[%mul3A_2] : memref<524288xi32, #tpu.memory_space<hbm>> -> memref<16384xi32, #tpu.memory_space<hbm>>
      tpu.wait_dma2 semaphore(%run_scoped3A : memref<!tpu.dma_semaphore, #tpu.memory_space<semaphore_mem>>) src(%dma_wait3A_18 : memref<16384xi32, #tpu.memory_space<hbm>>) dst(%arg4 : memref<16384xi32, #tpu.memory_space<vmem>>)
      tpu.yield
    }) : () -> ()
    %broadcast_in_dim3A_9 = arith.constant 1.000000e+00 : f32
    %broadcast_in_dim3A_10 = vector.broadcast %broadcast_in_dim3A_9 : f32 to vector<16xf32>
    %scan3A_11 = arith.constant 0 : i32
    %scan3A_12 = arith.constant 0 : i32
    %scan3A_13 = arith.constant 256 : i32
    %scan3A_14 = arith.addi %scan3A_12, %scan3A_13 : i32
    %scan3A_15 = arith.constant 1 : i32
    scf.for %scan3A_17 = %scan3A_12 to %scan3A_14 step %scan3A_15  : i32 {
      %mul3A_18 = arith.constant 4 : i32
      %mul3A_19 = arith.muli %scan3A_17, %mul3A_18 : i32
      %add3A_20 = arith.constant 0 : i32
      %add3A_21 = arith.addi %mul3A_19, %add3A_20 : i32
      %mul3A_22 = arith.constant 16 : i32
      %mul3A_23 = arith.muli %add3A_21, %mul3A_22 : i32
      %get3A = arith.index_cast %mul3A_23 : i32 to index
      %get3A_24 = tpu.vector_load %arg4[%get3A] {strides = array<i32>} : memref<16384xi32, #tpu.memory_space<vmem>>, vector<16xi32>,
      %shift_right_arithmetic3A = arith.constant 7 : i32
      %shift_right_arithmetic3A_25 = vector.broadcast %shift_right_arithmetic3A : i32 to vector<16xi32>
      %shift_right_arithmetic3A_26 = arith.shrsi %get3A_24, %shift_right_arithmetic3A_25 : vector<16xi32>
      %and3A = arith.constant 127 : i32
      %and3A_27 = vector.broadcast %and3A : i32 to vector<16xi32>
      %and3A_28 = arith.andi %get3A_24, %and3A_27 : vector<16xi32>
      tpu.vector_store_idx %arg5[%shift_right_arithmetic3A_26, %and3A_28], %broadcast_in_dim3A_10 {add = true} : memref<100x128xf32, #tpu.memory_space<vmem>>[vector<16xi32>, vector<16xi32>], vector<16xf32>,
      %mul3A_29 = arith.constant 4 : i32
      %mul3A_30 = arith.muli %scan3A_17, %mul3A_29 : i32
      %add3A_31 = arith.constant 1 : i32
      %add3A_32 = arith.addi %mul3A_30, %add3A_31 : i32
      %mul3A_33 = arith.constant 16 : i32
      %mul3A_34 = arith.muli %add3A_32, %mul3A_33 : i32
      %get3A_35 = arith.index_cast %mul3A_34 : i32 to index
      %get3A_36 = tpu.vector_load %arg4[%get3A_35] {strides = array<i32>} : memref<16384xi32, #tpu.memory_space<vmem>>, vector<16xi32>,
      %shift_right_arithmetic3A_37 = arith.constant 7 : i32
      %shift_right_arithmetic3A_38 = vector.broadcast %shift_right_arithmetic3A_37 : i32 to vector<16xi32>
      %shift_right_arithmetic3A_39 = arith.shrsi %get3A_36, %shift_right_arithmetic3A_38 : vector<16xi32>
      %and3A_40 = arith.constant 127 : i32
      %and3A_41 = vector.broadcast %and3A_40 : i32 to vector<16xi32>
      %and3A_42 = arith.andi %get3A_36, %and3A_41 : vector<16xi32>
      tpu.vector_store_idx %arg5[%shift_right_arithmetic3A_39, %and3A_42], %broadcast_in_dim3A_10 {add = true} : memref<100x128xf32, #tpu.memory_space<vmem>>[vector<16xi32>, vector<16xi32>], vector<16xf32>,
      %mul3A_43 = arith.constant 4 : i32
      %mul3A_44 = arith.muli %scan3A_17, %mul3A_43 : i32
      %add3A_45 = arith.constant 2 : i32
      %add3A_46 = arith.addi %mul3A_44, %add3A_45 : i32
      %mul3A_47 = arith.constant 16 : i32
      %mul3A_48 = arith.muli %add3A_46, %mul3A_47 : i32
      %get3A_49 = arith.index_cast %mul3A_48 : i32 to index
      %get3A_50 = tpu.vector_load %arg4[%get3A_49] {strides = array<i32>} : memref<16384xi32, #tpu.memory_space<vmem>>, vector<16xi32>,
      %shift_right_arithmetic3A_51 = arith.constant 7 : i32
      %shift_right_arithmetic3A_52 = vector.broadcast %shift_right_arithmetic3A_51 : i32 to vector<16xi32>
      %shift_right_arithmetic3A_53 = arith.shrsi %get3A_50, %shift_right_arithmetic3A_52 : vector<16xi32>
      %and3A_54 = arith.constant 127 : i32
      %and3A_55 = vector.broadcast %and3A_54 : i32 to vector<16xi32>
      %and3A_56 = arith.andi %get3A_50, %and3A_55 : vector<16xi32>
      tpu.vector_store_idx %arg5[%shift_right_arithmetic3A_53, %and3A_56], %broadcast_in_dim3A_10 {add = true} : memref<100x128xf32, #tpu.memory_space<vmem>>[vector<16xi32>, vector<16xi32>], vector<16xf32>,
      %mul3A_57 = arith.constant 4 : i32
      %mul3A_58 = arith.muli %scan3A_17, %mul3A_57 : i32
      %add3A_59 = arith.constant 3 : i32
      %add3A_60 = arith.addi %mul3A_58, %add3A_59 : i32
      %mul3A_61 = arith.constant 16 : i32
      %mul3A_62 = arith.muli %add3A_60, %mul3A_61 : i32
      %get3A_63 = arith.index_cast %mul3A_62 : i32 to index
      %get3A_64 = tpu.vector_load %arg4[%get3A_63] {strides = array<i32>} : memref<16384xi32, #tpu.memory_space<vmem>>, vector<16xi32>,
      %shift_right_arithmetic3A_65 = arith.constant 7 : i32
      %shift_right_arithmetic3A_66 = vector.broadcast %shift_right_arithmetic3A_65 : i32 to vector<16xi32>
      %shift_right_arithmetic3A_67 = arith.shrsi %get3A_64, %shift_right_arithmetic3A_66 : vector<16xi32>
      %and3A_68 = arith.constant 127 : i32
      %and3A_69 = vector.broadcast %and3A_68 : i32 to vector<16xi32>
      %and3A_70 = arith.andi %get3A_64, %and3A_69 : vector<16xi32>
      tpu.vector_store_idx %arg5[%shift_right_arithmetic3A_67, %and3A_70], %broadcast_in_dim3A_10 {add = true} : memref<100x128xf32, #tpu.memory_space<vmem>>[vector<16xi32>, vector<16xi32>], vector<16xf32>,
    }
    %scan3A_16 = arith.constant 256 : i32
    "tpu.region"() ({
      %run_scoped3A = tpu.sem_alloc : memref<!tpu.dma_semaphore, #tpu.memory_space<semaphore_mem>>
      %dma_start3A = arith.constant 0 : i32
      %dma_start3A_17 = arith.constant 0 : i32
      %dma_start3A_18 = tpu.memref_slice %arg3[%add3A, %dma_start3A, %dma_start3A_17] : memref<32x100x128xf32, #tpu.memory_space<hbm>> -> memref<1x100x128xf32, #tpu.memory_space<hbm>>
      %dma_start3A_19 = tpu.memref_squeeze %dma_start3A_18 : memref<1x100x128xf32, #tpu.memory_space<hbm>> -> memref<100x128xf32, #tpu.memory_space<hbm>>
      %dma_start3A_20 = arith.constant 0 : i32
      %dma_start3A_21 = arith.constant 0 : i32
      %dma_start3A_22 = tpu.memref_slice %arg3[%add3A, %dma_start3A_20, %dma_start3A_21] : memref<32x100x128xf32, #tpu.memory_space<hbm>> -> memref<1x100x128xf32, #tpu.memory_space<hbm>>
      %dma_start3A_23 = tpu.memref_squeeze %dma_start3A_22 : memref<1x100x128xf32, #tpu.memory_space<hbm>> -> memref<100x128xf32, #tpu.memory_space<hbm>>
      tpu.enqueue_dma source(%arg5 : memref<100x128xf32, #tpu.memory_space<vmem>>) target(%dma_start3A_23 : memref<100x128xf32, #tpu.memory_space<hbm>>) target_semaphore(%run_scoped3A : memref<!tpu.dma_semaphore, #tpu.memory_space<semaphore_mem>>)
      %dma_wait3A = arith.constant 0 : i32
      %dma_wait3A_24 = arith.constant 0 : i32
      %dma_wait3A_25 = tpu.memref_slice %arg3[%add3A, %dma_wait3A, %dma_wait3A_24] : memref<32x100x128xf32, #tpu.memory_space<hbm>> -> memref<1x100x128xf32, #tpu.memory_space<hbm>>
      %dma_wait3A_26 = tpu.memref_squeeze %dma_wait3A_25 : memref<1x100x128xf32, #tpu.memory_space<hbm>> -> memref<100x128xf32, #tpu.memory_space<hbm>>
      %dma_wait3A_27 = arith.constant 0 : i32
      %dma_wait3A_28 = arith.constant 0 : i32
      %dma_wait3A_29 = tpu.memref_slice %arg3[%add3A, %dma_wait3A_27, %dma_wait3A_28] : memref<32x100x128xf32, #tpu.memory_space<hbm>> -> memref<1x100x128xf32, #tpu.memory_space<hbm>>
      %dma_wait3A_30 = tpu.memref_squeeze %dma_wait3A_29 : memref<1x100x128xf32, #tpu.memory_space<hbm>> -> memref<100x128xf32, #tpu.memory_space<hbm>>
      tpu.wait_dma2 semaphore(%run_scoped3A : memref<!tpu.dma_semaphore, #tpu.memory_space<semaphore_mem>>) src(%arg5 : memref<100x128xf32, #tpu.memory_space<vmem>>) dst(%dma_wait3A_30 : memref<100x128xf32, #tpu.memory_space<hbm>>)
      tpu.yield
    }) : () -> ()
    return
  }
}

#map = affine_map<(d0, d1) -> (0)>
#map1 = affine_map<(d0, d1) -> (0, 0, 0)>
module attributes {stable_mosaic.version = 14 : i64} {
  func.func @_hist_body(%arg0: i32, %arg1: i32, %arg2: memref<524288xi32, #tpu.memory_space<hbm>>, %arg3: memref<32x100x128xf32, #tpu.memory_space<hbm>>, %arg4: memref<16384xi32, #tpu.memory_space<vmem>>, %arg5: memref<100x128xf32, #tpu.memory_space<vmem>>) attributes {dimension_semantics = [#tpu.dimension_semantics<core_parallel>, #tpu.dimension_semantics<subcore_parallel>], iteration_bounds = array<i64: 2, 16>, scalar_prefetch = 0 : i64, scratch_operands = 2 : i64, tpu.core_type = #tpu.core_type<sc_vector_subcore>, window_params = [{transform_indices = #map}, {transform_indices = #map1}]} {
    %mul3A = arith.constant 2 : i32
    %mul3A_0 = arith.muli %arg1, %mul3A : i32
    %add3A = arith.addi %mul3A_0, %arg0 : i32
    %mul3A_1 = arith.constant 16384 : i32
    %mul3A_2 = arith.muli %add3A, %mul3A_1 : i32
    %broadcast_in_dim3A = arith.constant 0.000000e+00 : f32
    %broadcast_in_dim3A_3 = vector.broadcast %broadcast_in_dim3A : f32 to vector<16xf32>
    %scan3A = arith.constant 0 : i32
    %scan3A_4 = arith.constant 0 : i32
    %scan3A_5 = arith.constant 100 : i32
    %scan3A_6 = arith.addi %scan3A_4, %scan3A_5 : i32
    %scan3A_7 = arith.constant 1 : i32
    scf.for %scan3A_17 = %scan3A_4 to %scan3A_6 step %scan3A_7  : i32 {
      %swap3A = arith.index_cast %scan3A_17 : i32 to index
      %swap3A_18 = arith.constant 0 : index
      %swap3A_19 = tpu.vector_load %arg5[%swap3A, %swap3A_18] {strides = array<i32>} : memref<100x128xf32, #tpu.memory_space<vmem>>, vector<16xf32>,
      tpu.vector_store %arg5[%swap3A, %swap3A_18], %broadcast_in_dim3A_3 {strides = array<i32>} : memref<100x128xf32, #tpu.memory_space<vmem>>, vector<16xf32>,
      %swap3A_20 = arith.index_cast %scan3A_17 : i32 to index
      %swap3A_21 = arith.constant 16 : index
      %swap3A_22 = tpu.vector_load %arg5[%swap3A_20, %swap3A_21] {strides = array<i32>} : memref<100x128xf32, #tpu.memory_space<vmem>>, vector<16xf32>,
      tpu.vector_store %arg5[%swap3A_20, %swap3A_21], %broadcast_in_dim3A_3 {strides = array<i32>} : memref<100x128xf32, #tpu.memory_space<vmem>>, vector<16xf32>,
      %swap3A_23 = arith.index_cast %scan3A_17 : i32 to index
      %swap3A_24 = arith.constant 32 : index
      %swap3A_25 = tpu.vector_load %arg5[%swap3A_23, %swap3A_24] {strides = array<i32>} : memref<100x128xf32, #tpu.memory_space<vmem>>, vector<16xf32>,
      tpu.vector_store %arg5[%swap3A_23, %swap3A_24], %broadcast_in_dim3A_3 {strides = array<i32>} : memref<100x128xf32, #tpu.memory_space<vmem>>, vector<16xf32>,
      %swap3A_26 = arith.index_cast %scan3A_17 : i32 to index
      %swap3A_27 = arith.constant 48 : index
      %swap3A_28 = tpu.vector_load %arg5[%swap3A_26, %swap3A_27] {strides = array<i32>} : memref<100x128xf32, #tpu.memory_space<vmem>>, vector<16xf32>,
      tpu.vector_store %arg5[%swap3A_26, %swap3A_27], %broadcast_in_dim3A_3 {strides = array<i32>} : memref<100x128xf32, #tpu.memory_space<vmem>>, vector<16xf32>,
      %swap3A_29 = arith.index_cast %scan3A_17 : i32 to index
      %swap3A_30 = arith.constant 64 : index
      %swap3A_31 = tpu.vector_load %arg5[%swap3A_29, %swap3A_30] {strides = array<i32>} : memref<100x128xf32, #tpu.memory_space<vmem>>, vector<16xf32>,
      tpu.vector_store %arg5[%swap3A_29, %swap3A_30], %broadcast_in_dim3A_3 {strides = array<i32>} : memref<100x128xf32, #tpu.memory_space<vmem>>, vector<16xf32>,
      %swap3A_32 = arith.index_cast %scan3A_17 : i32 to index
      %swap3A_33 = arith.constant 80 : index
      %swap3A_34 = tpu.vector_load %arg5[%swap3A_32, %swap3A_33] {strides = array<i32>} : memref<100x128xf32, #tpu.memory_space<vmem>>, vector<16xf32>,
      tpu.vector_store %arg5[%swap3A_32, %swap3A_33], %broadcast_in_dim3A_3 {strides = array<i32>} : memref<100x128xf32, #tpu.memory_space<vmem>>, vector<16xf32>,
      %swap3A_35 = arith.index_cast %scan3A_17 : i32 to index
      %swap3A_36 = arith.constant 96 : index
      %swap3A_37 = tpu.vector_load %arg5[%swap3A_35, %swap3A_36] {strides = array<i32>} : memref<100x128xf32, #tpu.memory_space<vmem>>, vector<16xf32>,
      tpu.vector_store %arg5[%swap3A_35, %swap3A_36], %broadcast_in_dim3A_3 {strides = array<i32>} : memref<100x128xf32, #tpu.memory_space<vmem>>, vector<16xf32>,
      %swap3A_38 = arith.index_cast %scan3A_17 : i32 to index
      %swap3A_39 = arith.constant 112 : index
      %swap3A_40 = tpu.vector_load %arg5[%swap3A_38, %swap3A_39] {strides = array<i32>} : memref<100x128xf32, #tpu.memory_space<vmem>>, vector<16xf32>,
      tpu.vector_store %arg5[%swap3A_38, %swap3A_39], %broadcast_in_dim3A_3 {strides = array<i32>} : memref<100x128xf32, #tpu.memory_space<vmem>>, vector<16xf32>,
    }
    %scan3A_8 = arith.constant 100 : i32
    "tpu.region"() ({
      %run_scoped3A = tpu.sem_alloc : memref<!tpu.dma_semaphore, #tpu.memory_space<semaphore_mem>>
      %dma_start3A = tpu.memref_slice %arg2[%mul3A_2] : memref<524288xi32, #tpu.memory_space<hbm>> -> memref<16384xi32, #tpu.memory_space<hbm>>
      %dma_start3A_17 = tpu.memref_slice %arg2[%mul3A_2] : memref<524288xi32, #tpu.memory_space<hbm>> -> memref<16384xi32, #tpu.memory_space<hbm>>
      tpu.enqueue_dma source(%dma_start3A_17 : memref<16384xi32, #tpu.memory_space<hbm>>) target(%arg4 : memref<16384xi32, #tpu.memory_space<vmem>>) target_semaphore(%run_scoped3A : memref<!tpu.dma_semaphore, #tpu.memory_space<semaphore_mem>>)
      %dma_wait3A = tpu.memref_slice %arg2[%mul3A_2] : memref<524288xi32, #tpu.memory_space<hbm>> -> memref<16384xi32, #tpu.memory_space<hbm>>
      %dma_wait3A_18 = tpu.memref_slice %arg2[%mul3A_2] : memref<524288xi32, #tpu.memory_space<hbm>> -> memref<16384xi32, #tpu.memory_space<hbm>>
      tpu.wait_dma2 semaphore(%run_scoped3A : memref<!tpu.dma_semaphore, #tpu.memory_space<semaphore_mem>>) src(%dma_wait3A_18 : memref<16384xi32, #tpu.memory_space<hbm>>) dst(%arg4 : memref<16384xi32, #tpu.memory_space<vmem>>)
      tpu.yield
    }) : () -> ()
    %broadcast_in_dim3A_9 = arith.constant 1.000000e+00 : f32
    %broadcast_in_dim3A_10 = vector.broadcast %broadcast_in_dim3A_9 : f32 to vector<16xf32>
    %scan3A_11 = arith.constant 0 : i32
    %scan3A_12 = arith.constant 0 : i32
    %scan3A_13 = arith.constant 256 : i32
    %scan3A_14 = arith.addi %scan3A_12, %scan3A_13 : i32
    %scan3A_15 = arith.constant 1 : i32
    scf.for %scan3A_17 = %scan3A_12 to %scan3A_14 step %scan3A_15  : i32 {
      %mul3A_18 = arith.constant 4 : i32
      %mul3A_19 = arith.muli %scan3A_17, %mul3A_18 : i32
      %add3A_20 = arith.constant 0 : i32
      %add3A_21 = arith.addi %mul3A_19, %add3A_20 : i32
      %mul3A_22 = arith.constant 16 : i32
      %mul3A_23 = arith.muli %add3A_21, %mul3A_22 : i32
      %get3A = arith.index_cast %mul3A_23 : i32 to index
      %get3A_24 = tpu.vector_load %arg4[%get3A] {strides = array<i32>} : memref<16384xi32, #tpu.memory_space<vmem>>, vector<16xi32>,
      %shift_right_arithmetic3A = arith.constant 7 : i32
      %shift_right_arithmetic3A_25 = vector.broadcast %shift_right_arithmetic3A : i32 to vector<16xi32>
      %shift_right_arithmetic3A_26 = arith.shrsi %get3A_24, %shift_right_arithmetic3A_25 : vector<16xi32>
      %and3A = arith.constant 127 : i32
      %and3A_27 = vector.broadcast %and3A : i32 to vector<16xi32>
      %and3A_28 = arith.andi %get3A_24, %and3A_27 : vector<16xi32>
      tpu.vector_store_idx %arg5[%shift_right_arithmetic3A_26, %and3A_28], %broadcast_in_dim3A_10 {add = true} : memref<100x128xf32, #tpu.memory_space<vmem>>[vector<16xi32>, vector<16xi32>], vector<16xf32>,
      %mul3A_29 = arith.constant 4 : i32
      %mul3A_30 = arith.muli %scan3A_17, %mul3A_29 : i32
      %add3A_31 = arith.constant 1 : i32
      %add3A_32 = arith.addi %mul3A_30, %add3A_31 : i32
      %mul3A_33 = arith.constant 16 : i32
      %mul3A_34 = arith.muli %add3A_32, %mul3A_33 : i32
      %get3A_35 = arith.index_cast %mul3A_34 : i32 to index
      %get3A_36 = tpu.vector_load %arg4[%get3A_35] {strides = array<i32>} : memref<16384xi32, #tpu.memory_space<vmem>>, vector<16xi32>,
      %shift_right_arithmetic3A_37 = arith.constant 7 : i32
      %shift_right_arithmetic3A_38 = vector.broadcast %shift_right_arithmetic3A_37 : i32 to vector<16xi32>
      %shift_right_arithmetic3A_39 = arith.shrsi %get3A_36, %shift_right_arithmetic3A_38 : vector<16xi32>
      %and3A_40 = arith.constant 127 : i32
      %and3A_41 = vector.broadcast %and3A_40 : i32 to vector<16xi32>
      %and3A_42 = arith.andi %get3A_36, %and3A_41 : vector<16xi32>
      tpu.vector_store_idx %arg5[%shift_right_arithmetic3A_39, %and3A_42], %broadcast_in_dim3A_10 {add = true} : memref<100x128xf32, #tpu.memory_space<vmem>>[vector<16xi32>, vector<16xi32>], vector<16xf32>,
      %mul3A_43 = arith.constant 4 : i32
      %mul3A_44 = arith.muli %scan3A_17, %mul3A_43 : i32
      %add3A_45 = arith.constant 2 : i32
      %add3A_46 = arith.addi %mul3A_44, %add3A_45 : i32
      %mul3A_47 = arith.constant 16 : i32
      %mul3A_48 = arith.muli %add3A_46, %mul3A_47 : i32
      %get3A_49 = arith.index_cast %mul3A_48 : i32 to index
      %get3A_50 = tpu.vector_load %arg4[%get3A_49] {strides = array<i32>} : memref<16384xi32, #tpu.memory_space<vmem>>, vector<16xi32>,
      %shift_right_arithmetic3A_51 = arith.constant 7 : i32
      %shift_right_arithmetic3A_52 = vector.broadcast %shift_right_arithmetic3A_51 : i32 to vector<16xi32>
      %shift_right_arithmetic3A_53 = arith.shrsi %get3A_50, %shift_right_arithmetic3A_52 : vector<16xi32>
      %and3A_54 = arith.constant 127 : i32
      %and3A_55 = vector.broadcast %and3A_54 : i32 to vector<16xi32>
      %and3A_56 = arith.andi %get3A_50, %and3A_55 : vector<16xi32>
      tpu.vector_store_idx %arg5[%shift_right_arithmetic3A_53, %and3A_56], %broadcast_in_dim3A_10 {add = true} : memref<100x128xf32, #tpu.memory_space<vmem>>[vector<16xi32>, vector<16xi32>], vector<16xf32>,
      %mul3A_57 = arith.constant 4 : i32
      %mul3A_58 = arith.muli %scan3A_17, %mul3A_57 : i32
      %add3A_59 = arith.constant 3 : i32
      %add3A_60 = arith.addi %mul3A_58, %add3A_59 : i32
      %mul3A_61 = arith.constant 16 : i32
      %mul3A_62 = arith.muli %add3A_60, %mul3A_61 : i32
      %get3A_63 = arith.index_cast %mul3A_62 : i32 to index
      %get3A_64 = tpu.vector_load %arg4[%get3A_63] {strides = array<i32>} : memref<16384xi32, #tpu.memory_space<vmem>>, vector<16xi32>,
      %shift_right_arithmetic3A_65 = arith.constant 7 : i32
      %shift_right_arithmetic3A_66 = vector.broadcast %shift_right_arithmetic3A_65 : i32 to vector<16xi32>
      %shift_right_arithmetic3A_67 = arith.shrsi %get3A_64, %shift_right_arithmetic3A_66 : vector<16xi32>
      %and3A_68 = arith.constant 127 : i32
      %and3A_69 = vector.broadcast %and3A_68 : i32 to vector<16xi32>
      %and3A_70 = arith.andi %get3A_64, %and3A_69 : vector<16xi32>
      tpu.vector_store_idx %arg5[%shift_right_arithmetic3A_67, %and3A_70], %broadcast_in_dim3A_10 {add = true} : memref<100x128xf32, #tpu.memory_space<vmem>>[vector<16xi32>, vector<16xi32>], vector<16xf32>,
    }
    %scan3A_16 = arith.constant 256 : i32
    "tpu.region"() ({
      %run_scoped3A = tpu.sem_alloc : memref<!tpu.dma_semaphore, #tpu.memory_space<semaphore_mem>>
      %dma_start3A = arith.constant 0 : i32
      %dma_start3A_17 = arith.constant 0 : i32
      %dma_start3A_18 = tpu.memref_slice %arg3[%add3A, %dma_start3A, %dma_start3A_17] : memref<32x100x128xf32, #tpu.memory_space<hbm>> -> memref<1x100x128xf32, #tpu.memory_space<hbm>>
      %dma_start3A_19 = tpu.memref_squeeze %dma_start3A_18 : memref<1x100x128xf32, #tpu.memory_space<hbm>> -> memref<100x128xf32, #tpu.memory_space<hbm>>
      %dma_start3A_20 = arith.constant 0 : i32
      %dma_start3A_21 = arith.constant 0 : i32
      %dma_start3A_22 = tpu.memref_slice %arg3[%add3A, %dma_start3A_20, %dma_start3A_21] : memref<32x100x128xf32, #tpu.memory_space<hbm>> -> memref<1x100x128xf32, #tpu.memory_space<hbm>>
      %dma_start3A_23 = tpu.memref_squeeze %dma_start3A_22 : memref<1x100x128xf32, #tpu.memory_space<hbm>> -> memref<100x128xf32, #tpu.memory_space<hbm>>
      tpu.enqueue_dma source(%arg5 : memref<100x128xf32, #tpu.memory_space<vmem>>) target(%dma_start3A_23 : memref<100x128xf32, #tpu.memory_space<hbm>>) target_semaphore(%run_scoped3A : memref<!tpu.dma_semaphore, #tpu.memory_space<semaphore_mem>>)
      %dma_wait3A = arith.constant 0 : i32
      %dma_wait3A_24 = arith.constant 0 : i32
      %dma_wait3A_25 = tpu.memref_slice %arg3[%add3A, %dma_wait3A, %dma_wait3A_24] : memref<32x100x128xf32, #tpu.memory_space<hbm>> -> memref<1x100x128xf32, #tpu.memory_space<hbm>>
      %dma_wait3A_26 = tpu.memref_squeeze %dma_wait3A_25 : memref<1x100x128xf32, #tpu.memory_space<hbm>> -> memref<100x128xf32, #tpu.memory_space<hbm>>
      %dma_wait3A_27 = arith.constant 0 : i32
      %dma_wait3A_28 = arith.constant 0 : i32
      %dma_wait3A_29 = tpu.memref_slice %arg3[%add3A, %dma_wait3A_27, %dma_wait3A_28] : memref<32x100x128xf32, #tpu.memory_space<hbm>> -> memref<1x100x128xf32, #tpu.memory_space<hbm>>
      %dma_wait3A_30 = tpu.memref_squeeze %dma_wait3A_29 : memref<1x100x128xf32, #tpu.memory_space<hbm>> -> memref<100x128xf32, #tpu.memory_space<hbm>>
      tpu.wait_dma2 semaphore(%run_scoped3A : memref<!tpu.dma_semaphore, #tpu.memory_space<semaphore_mem>>) src(%arg5 : memref<100x128xf32, #tpu.memory_space<vmem>>) dst(%dma_wait3A_30 : memref<100x128xf32, #tpu.memory_space<hbm>>)
      tpu.yield
    }) : () -> ()
    return
  }
}

module attributes {stable_mosaic.version = 14 : i64} {
  func.func @_argmax_body(%arg0: i32, %arg1: memref<100x32768xf32, #tpu.memory_space<vmem>>, %arg2: memref<32768xi32, #tpu.memory_space<vmem>>, %arg3: memref<32768xi32, #tpu.memory_space<vmem>>) attributes {dimension_semantics = [#tpu.dimension_semantics<arbitrary>], iteration_bounds = array<i64: 16>, scalar_prefetch = 0 : i64, scratch_operands = 0 : i64, tpu.core_type = #tpu.core_type<tc>, window_params = [{transform_indices = @transform_0, window_bounds = array<i64: 100, 32768>}, {transform_indices = @transform_1, window_bounds = array<i64: 32768>}, {transform_indices = @transform_2, window_bounds = array<i64: 32768>}]} {
    %get3A = arith.constant 0 : index
    %get3A_0 = arith.constant 0 : index
    %get3A_1 = vector.load %arg1[%get3A, %get3A_0] : memref<100x32768xf32, #tpu.memory_space<vmem>>, vector<100x32768xf32>
    %get3A_2 = arith.constant 0 : index
    %get3A_3 = vector.load %arg2[%get3A_2] : memref<32768xi32, #tpu.memory_space<vmem>>, vector<32768xi32>
    %reduce_max3A = arith.constant dense<0xFF800000> : vector<32768xf32>
    %reduce_max3A_4 = vector.multi_reduction <maximumf>, %get3A_1, %reduce_max3A [0] : vector<100x32768xf32> to vector<32768xf32>
    %broadcast_in_dim3A = vector.shape_cast %reduce_max3A_4 : vector<32768xf32> to vector<1x32768xf32>
    %iota3A = tpu.iota {dimensions = array<i32: 0>} : vector<100x32768xi32>
    %convert_element_type3A = arith.sitofp %iota3A : vector<100x32768xi32> to vector<100x32768xf32>
    %eq3A = vector.broadcast %broadcast_in_dim3A : vector<1x32768xf32> to vector<100x32768xf32>
    %eq3A_5 = arith.cmpf oeq, %get3A_1, %eq3A : vector<100x32768xf32>
    %jit3A = arith.constant 1.000000e+02 : f32
    %broadcast_in_dim3A_6 = vector.broadcast %jit3A : f32 to vector<100x32768xf32>
    %select_n3A = arith.select %eq3A_5, %convert_element_type3A, %broadcast_in_dim3A_6 : vector<100x32768xi1>, vector<100x32768xf32>
    %reduce_min3A = arith.constant dense<0x7F800000> : vector<32768xf32>
    %reduce_min3A_7 = vector.multi_reduction <minimumf>, %select_n3A, %reduce_min3A [0] : vector<100x32768xf32> to vector<32768xf32>
    %convert_element_type3A_8 = arith.fptosi %reduce_min3A_7 : vector<32768xf32> to vector<32768xi32>
    %mul3A = arith.constant 128 : i32
    %mul3A_9 = vector.broadcast %mul3A : i32 to vector<32768xi32>
    %mul3A_10 = arith.muli %get3A_3, %mul3A_9 : vector<32768xi32>
    %add3A = arith.addi %mul3A_10, %convert_element_type3A_8 : vector<32768xi32>
    %swap3A = arith.constant 0 : index
    %swap3A_11 = vector.load %arg3[%swap3A] : memref<32768xi32, #tpu.memory_space<vmem>>, vector<32768xi32>
    tpu.vector_store %arg3[%swap3A], %add3A {strides = array<i32>} : memref<32768xi32, #tpu.memory_space<vmem>>, vector<32768xi32>,
    return
  }
  func.func @transform_0(%arg0: i32) -> (i32, i32) {
    %add3A = arith.constant 16 : i32
    %add3A_0 = arith.addi %add3A, %arg0 : i32
    %c0_i32 = arith.constant 0 : i32
    %c0_i32_1 = arith.constant 0 : i32
    return %c0_i32, %add3A_0 : i32, i32
  }
  func.func @transform_1(%arg0: i32) -> i32 {
    %add3A = arith.constant 16 : i32
    %add3A_0 = arith.addi %add3A, %arg0 : i32
    %c0_i32 = arith.constant 0 : i32
    return %add3A_0 : i32
  }
  func.func @transform_2(%arg0: i32) -> i32 {
    %c0_i32 = arith.constant 0 : i32
    return %arg0 : i32
  }
}

module attributes {stable_mosaic.version = 14 : i64} {
  func.func @_f1_body(%arg0: memref<32x100x128xf32, #tpu.memory_space<vmem>>, %arg1: memref<32x100x128xf32, #tpu.memory_space<vmem>>, %arg2: memref<1x1xf32, #tpu.memory_space<vmem>>) attributes {dimension_semantics = [], scalar_prefetch = 0 : i64, scratch_operands = 0 : i64, tpu.core_type = #tpu.core_type<tc>} {
    %get3A = arith.constant 0 : index
    %get3A_0 = arith.constant 0 : index
    %get3A_1 = arith.constant 0 : index
    %get3A_2 = vector.load %arg0[%get3A, %get3A_0, %get3A_1] : memref<32x100x128xf32, #tpu.memory_space<vmem>>, vector<32x100x128xf32>
    %reduce_sum3A = arith.constant dense<0.000000e+00> : vector<100x128xf32>
    %reduce_sum3A_3 = vector.multi_reduction <add>, %get3A_2, %reduce_sum3A [0] : vector<32x100x128xf32> to vector<100x128xf32>
    %add3A = arith.constant 0.000000e+00 : f32
    %add3A_4 = vector.broadcast %add3A : f32 to vector<100x128xf32>
    %add3A_5 = arith.addf %add3A_4, %reduce_sum3A_3 : vector<100x128xf32>
    %get3A_6 = arith.constant 0 : index
    %get3A_7 = arith.constant 0 : index
    %get3A_8 = arith.constant 0 : index
    %get3A_9 = vector.load %arg1[%get3A_6, %get3A_7, %get3A_8] : memref<32x100x128xf32, #tpu.memory_space<vmem>>, vector<32x100x128xf32>
    %reduce_sum3A_10 = arith.constant dense<0.000000e+00> : vector<100x128xf32>
    %reduce_sum3A_11 = vector.multi_reduction <add>, %get3A_9, %reduce_sum3A_10 [0] : vector<32x100x128xf32> to vector<100x128xf32>
    %add3A_12 = arith.addf %add3A_5, %reduce_sum3A_11 : vector<100x128xf32>
    %iota3A = tpu.iota {dimensions = array<i32: 0>} : vector<100x128xi32>
    %iota3A_13 = tpu.iota {dimensions = array<i32: 1>} : vector<100x128xi32>
    %eq3A = arith.cmpi eq, %iota3A, %iota3A_13 : vector<100x128xi32>
    %jit3A = arith.constant 0.000000e+00 : f32
    %broadcast_in_dim3A = vector.broadcast %jit3A : f32 to vector<100x128xf32>
    %select_n3A = arith.select %eq3A, %add3A_12, %broadcast_in_dim3A : vector<100x128xi1>, vector<100x128xf32>
    %reduce_sum3A_14 = arith.constant dense<0.000000e+00> : vector<100xf32>
    %reduce_sum3A_15 = vector.multi_reduction <add>, %select_n3A, %reduce_sum3A_14 [1] : vector<100x128xf32> to vector<100xf32>
    %broadcast_in_dim3A_16 = vector.shape_cast %reduce_sum3A_15 : vector<100xf32> to vector<100x1xf32>
    %reduce_sum3A_17 = arith.constant dense<0.000000e+00> : vector<100xf32>
    %reduce_sum3A_18 = vector.multi_reduction <add>, %add3A_12, %reduce_sum3A_17 [1] : vector<100x128xf32> to vector<100xf32>
    %broadcast_in_dim3A_19 = vector.shape_cast %reduce_sum3A_18 : vector<100xf32> to vector<100x1xf32>
    %broadcast_in_dim3A_20 = arith.constant 1.000000e+00 : f32
    %broadcast_in_dim3A_21 = vector.broadcast %broadcast_in_dim3A_20 : f32 to vector<100x1xf32>
    %dot_general3A = arith.constant dense<0.000000e+00> : vector<128x1xf32>
    %dot_general3A_22 = tpu.matmul %add3A_12, %broadcast_in_dim3A_21, %dot_general3A {dimension_numbers = #tpu.dot_dimension_numbers<[0], [0], [1], [1], [0, 1, 1, 1], [], []>, transpose_lhs_hint = false} : vector<100x128xf32>, vector<100x1xf32>, vector<128x1xf32> -> vector<128x1xf32>
    %slice3A = vector.extract_strided_slice %dot_general3A_22 {offsets = [0, 0], sizes = [100, 1], strides = [1, 1]} : vector<128x1xf32> to vector<100x1xf32>
    %add3A_23 = arith.constant 9.99999996E-13 : f32
    %add3A_24 = vector.broadcast %add3A_23 : f32 to vector<100x1xf32>
    %add3A_25 = arith.addf %broadcast_in_dim3A_19, %add3A_24 : vector<100x1xf32>
    %div3A = arith.divf %broadcast_in_dim3A_16, %add3A_25 : vector<100x1xf32>
    %add3A_26 = arith.constant 9.99999996E-13 : f32
    %add3A_27 = vector.broadcast %add3A_26 : f32 to vector<100x1xf32>
    %add3A_28 = arith.addf %slice3A, %add3A_27 : vector<100x1xf32>
    %div3A_29 = arith.divf %broadcast_in_dim3A_16, %add3A_28 : vector<100x1xf32>
    %mul3A = arith.constant 2.000000e+00 : f32
    %mul3A_30 = vector.broadcast %mul3A : f32 to vector<100x1xf32>
    %mul3A_31 = arith.mulf %mul3A_30, %div3A : vector<100x1xf32>
    %mul3A_32 = arith.mulf %mul3A_31, %div3A_29 : vector<100x1xf32>
    %add3A_33 = arith.addf %div3A, %div3A_29 : vector<100x1xf32>
    %add3A_34 = arith.constant 9.99999996E-13 : f32
    %add3A_35 = vector.broadcast %add3A_34 : f32 to vector<100x1xf32>
    %add3A_36 = arith.addf %add3A_33, %add3A_35 : vector<100x1xf32>
    %div3A_37 = arith.divf %mul3A_32, %add3A_36 : vector<100x1xf32>
    %reduce_sum3A_38 = vector.shape_cast %div3A_37 : vector<100x1xf32> to vector<1x100x1xf32>
    %reduce_sum3A_39 = arith.constant dense<0.000000e+00> : vector<1xf32>
    %reduce_sum3A_40 = vector.multi_reduction <add>, %reduce_sum3A_38, %reduce_sum3A_39 [1, 2] : vector<1x100x1xf32> to vector<1xf32>
    %reduce_sum3A_41 = vector.shape_cast %reduce_sum3A_40 : vector<1xf32> to vector<1x1x1xf32>
    %reduce_sum3A_42 = vector.extract %reduce_sum3A_41[0, 0, 0] : f32 from vector<1x1x1xf32>
    %broadcast_in_dim3A_43 = vector.broadcast %reduce_sum3A_42 : f32 to vector<1x1xf32>
    %div3A_44 = arith.constant 1.000000e+02 : f32
    %div3A_45 = vector.broadcast %div3A_44 : f32 to vector<1x1xf32>
    %div3A_46 = arith.divf %broadcast_in_dim3A_43, %div3A_45 : vector<1x1xf32>
    %swap3A = arith.constant 0 : index
    %swap3A_47 = arith.constant 0 : index
    %swap3A_48 = vector.load %arg2[%swap3A, %swap3A_47] : memref<1x1xf32, #tpu.memory_space<vmem>>, vector<1x1xf32>
    tpu.vector_store %arg2[%swap3A, %swap3A_47], %div3A_46 {strides = array<i32>} : memref<1x1xf32, #tpu.memory_space<vmem>>, vector<1x1xf32>,
    return
  }
}

module attributes {stable_mosaic.version = 14 : i64} {
  func.func @_argmax_body(%arg0: i32, %arg1: memref<100x32768xf32, #tpu.memory_space<vmem>>, %arg2: memref<32768xi32, #tpu.memory_space<vmem>>, %arg3: memref<32768xi32, #tpu.memory_space<vmem>>) attributes {dimension_semantics = [#tpu.dimension_semantics<arbitrary>], iteration_bounds = array<i64: 16>, scalar_prefetch = 0 : i64, scratch_operands = 0 : i64, tpu.core_type = #tpu.core_type<tc>, window_params = [{transform_indices = @transform_0, window_bounds = array<i64: 100, 32768>}, {transform_indices = @transform_1, window_bounds = array<i64: 32768>}, {transform_indices = @transform_2, window_bounds = array<i64: 32768>}]} {
    %get3A = arith.constant 0 : index
    %get3A_0 = arith.constant 0 : index
    %get3A_1 = vector.load %arg1[%get3A, %get3A_0] : memref<100x32768xf32, #tpu.memory_space<vmem>>, vector<100x32768xf32>
    %get3A_2 = arith.constant 0 : index
    %get3A_3 = vector.load %arg2[%get3A_2] : memref<32768xi32, #tpu.memory_space<vmem>>, vector<32768xi32>
    %reduce_max3A = arith.constant dense<0xFF800000> : vector<32768xf32>
    %reduce_max3A_4 = vector.multi_reduction <maximumf>, %get3A_1, %reduce_max3A [0] : vector<100x32768xf32> to vector<32768xf32>
    %broadcast_in_dim3A = vector.shape_cast %reduce_max3A_4 : vector<32768xf32> to vector<1x32768xf32>
    %iota3A = tpu.iota {dimensions = array<i32: 0>} : vector<100x32768xi32>
    %convert_element_type3A = arith.sitofp %iota3A : vector<100x32768xi32> to vector<100x32768xf32>
    %eq3A = vector.broadcast %broadcast_in_dim3A : vector<1x32768xf32> to vector<100x32768xf32>
    %eq3A_5 = arith.cmpf oeq, %get3A_1, %eq3A : vector<100x32768xf32>
    %jit3A = arith.constant 1.000000e+02 : f32
    %broadcast_in_dim3A_6 = vector.broadcast %jit3A : f32 to vector<100x32768xf32>
    %select_n3A = arith.select %eq3A_5, %convert_element_type3A, %broadcast_in_dim3A_6 : vector<100x32768xi1>, vector<100x32768xf32>
    %reduce_min3A = arith.constant dense<0x7F800000> : vector<32768xf32>
    %reduce_min3A_7 = vector.multi_reduction <minimumf>, %select_n3A, %reduce_min3A [0] : vector<100x32768xf32> to vector<32768xf32>
    %convert_element_type3A_8 = arith.fptosi %reduce_min3A_7 : vector<32768xf32> to vector<32768xi32>
    %mul3A = arith.constant 128 : i32
    %mul3A_9 = vector.broadcast %mul3A : i32 to vector<32768xi32>
    %mul3A_10 = arith.muli %get3A_3, %mul3A_9 : vector<32768xi32>
    %add3A = arith.addi %mul3A_10, %convert_element_type3A_8 : vector<32768xi32>
    %swap3A = arith.constant 0 : index
    %swap3A_11 = vector.load %arg3[%swap3A] : memref<32768xi32, #tpu.memory_space<vmem>>, vector<32768xi32>
    tpu.vector_store %arg3[%swap3A], %add3A {strides = array<i32>} : memref<32768xi32, #tpu.memory_space<vmem>>, vector<32768xi32>,
    return
  }
  func.func @transform_0(%arg0: i32) -> (i32, i32) {
    %add3A = arith.constant 0 : i32
    %add3A_0 = arith.addi %add3A, %arg0 : i32
    %c0_i32 = arith.constant 0 : i32
    %c0_i32_1 = arith.constant 0 : i32
    return %c0_i32, %add3A_0 : i32, i32
  }
  func.func @transform_1(%arg0: i32) -> i32 {
    %add3A = arith.constant 0 : i32
    %add3A_0 = arith.addi %add3A, %arg0 : i32
    %c0_i32 = arith.constant 0 : i32
    return %add3A_0 : i32
  }
  func.func @transform_2(%arg0: i32) -> i32 {
    %c0_i32 = arith.constant 0 : i32
    return %arg0 : i32
  }
}

</mosaic_0001>

<sc_bundles>
// kernel: kernel.10.cloned.1.call-start
scs
__scs_entry_jumppad:
0x0: {  	(pc) =	sbr.rel $0x88, $3  }
0x1: {  	(tag) =	ssettag $0x0;
	lr =	simm.s32 $0x1  }
0x2: {  	[smem:$0x3F9F] =	sst lr;
	_ =	strace $0xD0000000  }
0x3: {  	_ = 	snop  }
0x4: {  	_ = 	snop  }
0x5: {  	_ = 	snop  }
0x6: {  	_ = 	snop  }
0x7: {  	_ = 	snop  }
__scs_overlays_trampoline_lowered:
0x8: {  	[smem:$0x3FAE] =	sst s0  }
0x9: {  	[smem:$0x3FAF] =	sst s1  }
0xa: {  	[smem:$0x3FB0] =	sst s2  }
0xb: {  	[smem:$0x3FB1] =	sst s3  }
0xc: {  	[smem:$0x3FB2] =	sst s4  }
0xd: {  	[smem:$0x3FB3] =	sst s5  }
0xe: {  	[smem:$0x3FB4] =	sst s6  }
0xf: {  	[smem:$0x3FB5] =	sst s7  }
0x10: {  	[smem:$0x3FB6] =	sst s8  }
0x11: {  	[smem:$0x3FB7] =	sst s9;
	s0 =	simm.s32 @!p0 $0x0  }
0x12: {  	s1 =	sld [smem:$0x3F9D];
	s0 =	simm.s32 @p0 $0x1  }
0x13: {  	[smem:$0x3FB8] =	sst s0;
	s0 =	simm.s32 @!p1 $0x0  }
0x14: {  	s2 =	sld [smem:$0x3F9C];
	s0 =	simm.s32 @p1 $0x1  }
0x15: {  	[smem:$0x3FB9] =	sst s0;
	s0 =	simm.s32 @!p2 $0x0  }
0x16: {  	s3 =	sld [smem:$0x3FDB];
	s0 =	simm.s32 @p2 $0x1  }
0x17: {  	s4 =	simm.s32 $0x1BF5;
	[smem:$0x3FBB] =	sst s0  }
0x18: {  	s0 =	sld [smem:$0x3F9E];
	_ =	swait.ge [sflag:s4], $0x0  }
0x19: {  	s7 =	sld [smem:$0x3F9F]  }
0x1a: {  	s8 =	sadd.s32 $0xFFFFE003, lr  }
0x1b: {  	s9 =	sadd.s32 $0xFFFFFEF7, lr;
	s5 =	simm.s32 $0xFFFFFFFF;
	p2 =	slt.u32 s8, $0xFFFFF086  }
0x1c: {  	p1 =	slt.u32 s9, $0xF7A;
	s5 =	simm.s32 @!p2 $0x0  }
0x1d: {  	s5 =	simm.s32 @p1 $0x1;
	p0 =	seq.s32 s7, s2  }
0x1e: {  	s7 =	smul.u32 @!p0 $0xF7A, s2;
	p2 =	seq.s32 @!p0 s5, $0x0  }
0x1f: {  	s9 =	smul.u32 $0xF7A, s1;
	s8 =	simm.s32 @!p0 $0x1BF5;
	p2 =	por !p2, p0  }
0x20: {  	[sflag:s8] =	ssyncset.s32 @!p0 $0xFFFFF086;
	s6 =	sadd.s32 @!p0 s3, s7;
	s7 =	simm.s32 @!p0 $0x108  }
0x21: {  	s3 =	sadd.s32 s3, s9;
	s6 =	sadd.s32 @!p0 $0x88, s6;
	s7 =	simm.s32 @p2 $0x1082  }
0x22: {  	[simem:s7], [sflag:s8] =	dma.local @!p0 [hbm:s6], $0xF7A  }
0x23: {  	s9 =	sor.u32 $0xD0000000, s2;
	s6 =	simm.s32 $0x108;
	_ =	swait.ge @!p0 [sflag:s8], $0x0  }
0x24: {  	s3 =	sadd.s32 $0x88, s3;
	s6 =	simm.s32 @!p1 $0x1082;
	[sflag:s4] =	ssyncset.s32 $0xFFFFF086  }
0x25: {  	[simem:s6], [sflag:s4] =	dma.local [hbm:s3], $0xF7A  }
0x26: {  	[smem:$0x3F9F] =	sst s1;
	(tag) =	ssettag s2;
	_ =	strace s9  }
0x27: {  	s1 =	sld [smem:$0x3FAF]  }
0x28: {  	s2 =	sld [smem:$0x3FB0]  }
0x29: {  	s4 =	sld [smem:$0x3FB2]  }
0x2a: {  	p0 =	seq.s32 s5, $0x0;
	s5 =	sld [smem:$0x3FB3]  }
0x2b: {  	s6 =	sld [smem:$0x3FB4]  }
0x2c: {  	s7 =	sld [smem:$0x3FB5]  }
0x2d: {  	s3 =	simm.s32 $0x108;
	s8 =	sld [smem:$0x3FB6]  }
0x2e: {  	s3 =	simm.s32 @!p0 $0x1082;
	s9 =	sld [smem:$0x3FB7]  }
0x2f: {  	lr =	sadd.s32 s0, s3;
	s0 =	sld [smem:$0x3FAE]  }
0x30: {  	s3 =	sld [smem:$0x3FB1]  }
0x31: {  	[smem:$0x3FBA] =	sst s10  }
0x32: {  	s10 =	sld [smem:$0x3FB8];
	_ =	sdelay $0x3  }
0x33: {  	p0 =	seq.s32 s10, $0x1;
	s10 =	sld [smem:$0x3FBA];
	_ =	sdelay $0x3  }
0x34: {  	[smem:$0x3FBA] =	sst s10  }
0x35: {  	s10 =	sld [smem:$0x3FB9];
	_ =	sdelay $0x3  }
0x36: {  	p1 =	seq.s32 s10, $0x1;
	s10 =	sld [smem:$0x3FBA];
	_ =	sdelay $0x3  }
0x37: {  	[smem:$0x3FBA] =	sst s10  }
0x38: {  	s10 =	sld [smem:$0x3FBB]  }
0x39: {  	_ = 	snop;
	(pc) =	sbr.ind lr, $3  }
0x3a: {  	_ = 	snop  }
0x3b: {  	_ = 	snop  }
0x3c: {  	p2 =	seq.s32 s10, $0x1;
	s10 =	sld [smem:$0x3FBA]  }
0x3d: {  	_ =	shalt  }
0x3e: {  	_ =	shalt  }
0x3f: {  	_ =	shalt  }
0x40: {  	_ =	shalt  }
0x41: {  	_ =	shalt  }
0x42: {  	_ =	shalt  }
0x43: {  	_ =	shalt  }
0x44: {  	_ =	shalt  }
0x45: {  	_ =	shalt  }
0x46: {  	_ =	shalt  }
0x47: {  	_ =	shalt  }
0x48: {  	_ =	shalt  }
0x49: {  	_ =	shalt  }
0x4a: {  	_ =	shalt  }
0x4b: {  	_ =	shalt  }
0x4c: {  	_ =	shalt  }
0x4d: {  	_ =	shalt  }
0x4e: {  	_ =	shalt  }
0x4f: {  	_ =	shalt  }
0x50: {  	_ =	shalt  }
0x51: {  	_ =	shalt  }
0x52: {  	_ =	shalt  }
0x53: {  	_ =	shalt  }
0x54: {  	_ =	shalt  }
0x55: {  	_ =	shalt  }
0x56: {  	_ =	shalt  }
0x57: {  	_ =	shalt  }
0x58: {  	_ =	shalt  }
0x59: {  	_ =	shalt  }
0x5a: {  	_ =	shalt  }
0x5b: {  	_ =	shalt  }
0x5c: {  	_ =	shalt  }
0x5d: {  	_ =	shalt  }
0x5e: {  	_ =	shalt  }
0x5f: {  	_ =	shalt  }
0x60: {  	_ =	shalt  }
0x61: {  	_ =	shalt  }
0x62: {  	_ =	shalt  }
0x63: {  	_ =	shalt  }
0x64: {  	_ =	shalt  }
0x65: {  	_ =	shalt  }
0x66: {  	_ =	shalt  }
0x67: {  	_ =	shalt  }
0x68: {  	_ =	shalt  }
0x69: {  	_ =	shalt  }
0x6a: {  	_ =	shalt  }
0x6b: {  	_ =	shalt  }
0x6c: {  	_ =	shalt  }
0x6d: {  	_ =	shalt  }
0x6e: {  	_ =	shalt  }
0x6f: {  	_ =	shalt  }
0x70: {  	_ =	shalt  }
0x71: {  	_ =	shalt  }
0x72: {  	_ =	shalt  }
0x73: {  	_ =	shalt  }
0x74: {  	_ =	shalt  }
0x75: {  	_ =	shalt  }
0x76: {  	_ =	shalt  }
0x77: {  	_ =	shalt  }
0x78: {  	_ =	shalt  }
0x79: {  	_ =	shalt  }
0x7a: {  	_ =	shalt  }
0x7b: {  	_ =	shalt  }
0x7c: {  	_ =	shalt  }
0x7d: {  	_ =	shalt  }
0x7e: {  	_ =	shalt  }
0x7f: {  	_ =	shalt  }
0x80: {  	_ =	shalt  }
0x81: {  	_ =	shalt  }
0x82: {  	_ =	shalt  }
0x83: {  	_ =	shalt  }
0x84: {  	_ =	shalt  }
0x85: {  	_ =	shalt  }
0x86: {  	_ =	shalt  }
0x87: {  	_ =	shalt  }
.Lfunc_end0:
.L_simem_size_0:
called_computation.1_lowered:
.L_overlay_start_0:
0x88: {  	s2 =	sld [smem:$0x3FD9]  }
0x89: {  	s3 =	sld [smem:$0x3FFE];
	_ =	sdelay $0x1  }
0x8a: {  	s1 =	srdreg.scid  }
0x8b: {  	s0 =	sand.u32 $0x1, s1  }
0x8c: {  	s16 =	sshll.u32 s0, $0xA;
	s2 =	sadd.s32 s3, s2  }
0x8d: {  	s2 =	sadd.s32 s2, s16  }
0x8e: {  	[smem:$0x3FC6] =	sst s2  }
0x8f: {  	_ = 	snop  }
0x90: {  	(tm) =	ssettm $0x1  }
0x91: {  	s17 =	sld [smem:$0x3FFB];
	_ =	sdelay $0x3  }
0x92: {  	_ =	strace s17  }
0x93: {  	s2 =	sld [smem:$0x3FFC];
	_ =	sdelay $0x3  }
0x94: {  	_ =	strace s2  }
0x95: {  	s2 =	sld [smem:$0x3FFD];
	_ =	sdelay $0x3  }
0x96: {  	_ =	strace s2  }
0x97: {  	_ =	strace $0x8FFFFFFF  }
0x98: {  	s18 =	sld [smem:$0x3FDB];
	_ =	sdelay $0x1  }
0x99: {  	s19 =	simm.s32 $_scs_section_size  }
0x9a: {  	s4 =	simm.s32 $_size__tile_overlayer_lowered;
	s5 =	simm.s32 $_tile_overlayer_lowered  }
0x9b: {  	s22 =	simm.s32 $0x1BFF;
	s21 =	sshll.u32 s5, $0x1;
	s2 =	sadd.s32 s19, s18  }
0x9c: {  	s6 =	simm.s32 $0x0;
	s20 =	sshll.u32 s4, $0x1;
	s4 =	sadd.s32 s21, s2  }
0x9d: {  	[timem:s6], [sflag:s22] =	dma.local [hbm:s4], s20  }
0x9e: {  	_ =	swait.ge [sflag:s22], s20  }
0x9f: {  	s3 =	ssub.s32 $0x0, s20;
	[sflag:s22] =	ssyncset.done $0x0  }
0xa0: {  	[sflag:s22] =	ssyncadd.s32 s3;
	_ =	sdelay $0x1  }
0xa1: {  	s23 =	simm.s32 $0x1B8B  }
0xa2: {  	_ =	swait.ge [sflag:s23], $0x1  }
0xa3: {  	[sflag:s23] =	ssyncset.done $0x0  }
0xa4: {  	s25 =	simm.s32 $0x1B8E;
	s24 =	sld [smem:$0x3FFE];
	[sflag:s23] =	ssyncadd.s32 $0xFFFFFFFF  }
0xa5: {  	s26 =	simm.s32 $execute0_lowered;
	[smem:$0x3FD2] =	sst s25  }
0xa6: {  	s4 =	sshll.u32 s26, $0x1;
	_ =	strace $0x80000046;
	[dreg:$0x1] =	wrdreg $0xFFFFFFFF  }
0xa7: {  	s28 =	simm.s32 $_size_execute0_lowered;
	s2 =	sadd.s32 s2, s4;
	[dreg:$0x0] =	wrdreg $0x0  }
0xa8: {  	s4 =	sshll.u32 s28, $0x1;
	[dreg:$0x2] =	wrdreg s2  }
0xa9: {  	[dreg:$0x3] =	wrdreg s4  }
0xaa: {  	[dreg:$0x4] =	wrdreg $0xC0  }
0xab: {  	_ =	task [dreg:s6], $0x5FFFF  }
0xac: {  	[dreg:$0x1] =	wrdreg $0xFFFFFFFF  }
0xad: {  	[dreg:$0x0] =	wrdreg $0x60  }
0xae: {  	[dreg:$0x2] =	wrdreg s24  }
0xaf: {  	[dreg:$0x3] =	wrdreg $0xA  }
0xb0: {  	_ =	task.clear_ibuf [dreg:s6], $0x4FFFF;
	_ =	strace $0x90000046  }
0xb1: {  	s29 =	simm.s32 $0xA;
	_ =	strace $0x80000048  }
0xb2: {  	_ =	swait.ge [sflag:s29], $0x1  }
0xb3: {  	[sflag:s29] =	ssyncadd.s32 $0xFFFFFFFF  }
0xb4: {  	_ =	strace $0x90000048  }
0xb5: {  	_ =	sfence  }
0xb6: {  	s30 =	sld [smem:$0x0];
	_ =	sdelay $0x2  }
0xb7: {  	s31 =	sshll.u32 s1, $0xD;
	s1 =	sshrl.u32 s1, $0x2  }
0xb8: {  	s3 =	sand.u32 $0x4000, s31;
	s1 =	sadd.s32 s1, s30  }
0xb9: {  	s0 =	sor.u32 s3, s0;
	s1 =	sshll.u32 s1, $0x11  }
0xba: {  	s0 =	sor.u32 s1, s0  }
0xbb: {  	s0 =	sadd.s32 $0x8F2B, s0  }
0xbc: {  	[sflag:s0] =	ssyncadd.remote.s32 $0x1  }
0xbd: {  	_ =	sfence.sel $0xFFFF  }
0xbe: {  	[dreg:$0x0] =	wrdreg $0xFFFFFFFF;
	(pc) =	sbr.abs _section_cstart, $3  }
0xbf: {  	[dreg:$0x1] =	wrdreg $0xFFFFFFFF  }
0xc0: {  	_ =	task.clear_ibuf [dreg:s6], $0x2FFFF;
	_ =	strace $0x9FFFFFFF  }
0xc1: {  	(tm) =	ssettm $0x7FFFFFFF  }
tec
execute0_lowered:
.L_overlay_start_1:
0x0: {  	(tag) =	ssettag $0x1  }
0x1: {  	s1 =	srdreg.scid;
	s0 =	stileid.u32  }
0x2: {  	s3 =	rddreg [dreg:$0x0];
	s2 =	simm.s32 $0x0;
	s8 =	simm.s32 $0x0  }
0x3: {  	s4 =	sand.u32 $0x1, s1;
	s5 =	sshll.u32 s0, $0x1;
	s1 =	rddreg [dreg:$0x1]  }
0x4: {  	[smem:$0x7FF] =	sst s2;
	s5 =	sor.u32 s4, s5;
	s4 =	ssub.s32 $0x2, s4  }
0x5: {  	s6 =	smul.u32 $0x680, s5;
	s5 =	sshll.u32 s5, $0xB;
	s7 =	sshrl.u32 s4, $0x1  }
0x6: {  	_ =	strace $0x80000047;
	s5 =	sadd.s32 s5, s3;
	s7 =	ssub.s32 s4, s7  }
0x7: {  	s6 =	sadd.s32 s6, s3;
	s3 =	sadd.s32 $0x1200, s5;
	s5 =	smax.u32 s7, $0x1  }
0x8: {  	v0 =	vimm.f32 $0.0e+00;
	v1 =	vimm.f32 $1.000000000e+00;
	s7 =	simm.s32 $0x4000;
	s4 =	sadd.s32 $0x11200, s6;
	s6 =	simm.s32 $0x1  }
.LBB2_1:
0x9: {  	s9 =	simm.s32 $0x0;
	s10 =	simm.s32 $0x200  }
.LBB2_2:
0xa: {  	p0 =	sne.s32 s10, $0xC600;
	[tilespmem:s9+$0x4070] =	vst v0  }
0xb: {  	[tilespmem:s9+$0x4000] =	vst v0  }
0xc: {  	[tilespmem:s9+$0x4010] =	vst v0  }
.Ltmp0:
0xd: {  	[tilespmem:s9+$0x4020] =	vst v0;
	(pc) =	sbr.rel @p0 .LBB2_2-.Ltmp0, $4  }
0xe: {  	[tilespmem:s9+$0x4030] =	vst v0  }
0xf: {  	[tilespmem:s9+$0x4040] =	vst v0  }
0x10: {  	[tilespmem:s9+$0x4050] =	vst v0  }
0x11: {  	[tilespmem:s9+$0x4060] =	vst v0;
	s9 =	sshra.s32 s10, $0x2;
	s10 =	sadd.s32 $0x200, s10  }
0x12: {  	[tilespmem:s9+$0x4070] =	vst v0  }
0x13: {  	[tilespmem:s9+$0x4000] =	vst v0  }
0x14: {  	[tilespmem:s9+$0x4010] =	vst v0  }
0x15: {  	[tilespmem:s9+$0x4020] =	vst v0  }
0x16: {  	[tilespmem:s9+$0x4030] =	vst v0  }
0x17: {  	[tilespmem:s9+$0x4040] =	vst v0  }
0x18: {  	[tilespmem:s9+$0x4050] =	vst v0  }
0x19: {  	[tilespmem:s9+$0x4060] =	vst v0;
	s9 =	simm.s32 $0x0  }
0x1a: {  	[tilespmem:s9], [sflag:$0x1] =	stream.linear.gather [hbm4b:s3+s9], $0x4000, $0x38;
	[tilespmem:$0x7400] =	vst v63  }
0x1b: {  	_ =	swait.ge [sflag:s6], $0x4000  }
0x1c: {  	[sflag:s6] =	ssyncset.done $0x0  }
0x1d: {  	[sflag:s6] =	ssyncadd.s32 $0xFFFFC000  }
.LBB2_4:
0x1e: {  	s10 =	sshra.s32 s9, $0x2  }
0x1f: {  	v2 =	vld [tilespmem:s10+$0x0];
	_ =	sdelay $0x7  }
0x20: {  	[tilespmem:v2+s7+$0x0] =	vst.idx.add.f32.msk $0xffff, v1  }
0x21: {  	v2 =	vld [tilespmem:s10+$0x10];
	_ =	sdelay $0x7  }
0x22: {  	[tilespmem:v2+s7+$0x0] =	vst.idx.add.f32.msk $0xffff, v1  }
0x23: {  	v2 =	vld [tilespmem:s10+$0x20];
	_ =	sdelay $0x7  }
0x24: {  	[tilespmem:v2+s7+$0x0] =	vst.idx.add.f32.msk $0xffff, v1  }
0x25: {  	v2 =	vld [tilespmem:s10+$0x30];
	_ =	sdelay $0x2  }
0x26: {  	p0 =	sne.s32 s9, $0xFF00  }
.Ltmp1:
0x27: {  	_ = 	snop;
	(pc) =	sbr.rel @p0 .LBB2_4-.Ltmp1, $2  }
0x28: {  	_ =	sdelay $0x2  }
0x29: {  	s9 =	sadd.s32 $0x100, s9;
	[tilespmem:v2+s7+$0x0] =	vst.idx.add.f32.msk $0xffff, v1  }
0x2a: {  	s8 =	sadd.s32 $0x1, s8  }
0x2b: {  	p0 =	sne.s32 s8, s5  }
.Ltmp2:
0x2c: {  	_ = 	snop;
	(pc) =	sbr.rel @p0 .LBB2_1-.Ltmp2, $4  }
0x2d: {  	[hbm4b:s4+s2] =	stream.linear.scatter [tilespmem:s7], [sflag:$0x1], $0x3200, $0x38;
	[tilespmem:$0x7400] =	vst v63  }
0x2e: {  	_ =	swait.ge [sflag:s6], $0x3200  }
0x2f: {  	[sflag:s6] =	ssyncset.done $0x0  }
0x30: {  	[sflag:s6] =	ssyncadd.s32 $0xFFFFCE00  }
0x31: {  	_ =	sfence.sel $0x180000  }
0x32: {  	[bflag:$0x0] =	sbarrier.arrive $0xFFFF  }
0x33: {  	p0 =	sne.s32 s0, $0x0;
	_ =	strace $0x90000047  }
0x34: {  	s0 =	sadd.s32 @!p0 $0x100000, s1;
	[bflag:$0x2] =	sbarrier.arrive $0xFFFF  }
0x35: {  	[sflag:s0] =	ssyncadd.tile.s32 @!p0 $0x1;
	_ =	shalt  }
.Lfunc_end2:
_tile_overlayer_lowered:
.L_overlay_start_2:
0x36: {  	(tag) =	ssettag $0x2  }
0x37: {  	s0 =	rddreg [dreg:$0x0];
	s2 =	stileid.u32  }
0x38: {  	s1 =	rddreg [dreg:$0x1];
	p0 =	sne.s32 s2, $0x0  }
0x39: {  	s3 =	rddreg [dreg:$0x2];
	[bflag:$0x3] =	sbarrier.arrive $0xFFFF;
	s2 =	simm.s32 @!p0 $0x1C01  }
0x3a: {  	[timem:s3], [sflag:s2] =	dma.local @!p0 [hbm:s0], s1  }
0x3b: {  	s0 =	simm.s32 @!p0 $0x1  }
0x3c: {  	_ =	swait.ge @!p0 [sflag:s0], s1  }
0x3d: {  	s1 =	ssub.s32 @!p0 $0x0, s1;
	[sflag:s0] =	ssyncset.done @!p0 $0x0  }
0x3e: {  	[sflag:s0] =	ssyncadd.s32 @!p0 s1  }
0x3f: {  	[bflag:$0x3] =	sbarrier.arrive $0xFFFF  }
0x40: {  	_ =	shalt  }

// kernel: kernel.7.cloned.1.call-start
scs
__scs_entry_jumppad:
0x0: {  	(pc) =	sbr.rel $0x88, $3  }
0x1: {  	(tag) =	ssettag $0x0;
	lr =	simm.s32 $0x1  }
0x2: {  	[smem:$0x3F9F] =	sst lr;
	_ =	strace $0xD0000000  }
0x3: {  	_ = 	snop  }
0x4: {  	_ = 	snop  }
0x5: {  	_ = 	snop  }
0x6: {  	_ = 	snop  }
0x7: {  	_ = 	snop  }
__scs_overlays_trampoline_lowered:
0x8: {  	[smem:$0x3FAE] =	sst s0  }
0x9: {  	[smem:$0x3FAF] =	sst s1  }
0xa: {  	[smem:$0x3FB0] =	sst s2  }
0xb: {  	[smem:$0x3FB1] =	sst s3  }
0xc: {  	[smem:$0x3FB2] =	sst s4  }
0xd: {  	[smem:$0x3FB3] =	sst s5  }
0xe: {  	[smem:$0x3FB4] =	sst s6  }
0xf: {  	[smem:$0x3FB5] =	sst s7  }
0x10: {  	[smem:$0x3FB6] =	sst s8  }
0x11: {  	[smem:$0x3FB7] =	sst s9;
	s0 =	simm.s32 @!p0 $0x0  }
0x12: {  	s1 =	sld [smem:$0x3F9D];
	s0 =	simm.s32 @p0 $0x1  }
0x13: {  	[smem:$0x3FB8] =	sst s0;
	s0 =	simm.s32 @!p1 $0x0  }
0x14: {  	s2 =	sld [smem:$0x3F9C];
	s0 =	simm.s32 @p1 $0x1  }
0x15: {  	[smem:$0x3FB9] =	sst s0;
	s0 =	simm.s32 @!p2 $0x0  }
0x16: {  	s3 =	sld [smem:$0x3FDB];
	s0 =	simm.s32 @p2 $0x1  }
0x17: {  	s4 =	simm.s32 $0x1BF5;
	[smem:$0x3FBB] =	sst s0  }
0x18: {  	s0 =	sld [smem:$0x3F9E];
	_ =	swait.ge [sflag:s4], $0x0  }
0x19: {  	s7 =	sld [smem:$0x3F9F]  }
0x1a: {  	s8 =	sadd.s32 $0xFFFFE003, lr  }
0x1b: {  	s9 =	sadd.s32 $0xFFFFFEF7, lr;
	s5 =	simm.s32 $0xFFFFFFFF;
	p2 =	slt.u32 s8, $0xFFFFF086  }
0x1c: {  	p1 =	slt.u32 s9, $0xF7A;
	s5 =	simm.s32 @!p2 $0x0  }
0x1d: {  	s5 =	simm.s32 @p1 $0x1;
	p0 =	seq.s32 s7, s2  }
0x1e: {  	s7 =	smul.u32 @!p0 $0xF7A, s2;
	p2 =	seq.s32 @!p0 s5, $0x0  }
0x1f: {  	s9 =	smul.u32 $0xF7A, s1;
	s8 =	simm.s32 @!p0 $0x1BF5;
	p2 =	por !p2, p0  }
0x20: {  	[sflag:s8] =	ssyncset.s32 @!p0 $0xFFFFF086;
	s6 =	sadd.s32 @!p0 s3, s7;
	s7 =	simm.s32 @!p0 $0x108  }
0x21: {  	s3 =	sadd.s32 s3, s9;
	s6 =	sadd.s32 @!p0 $0x88, s6;
	s7 =	simm.s32 @p2 $0x1082  }
0x22: {  	[simem:s7], [sflag:s8] =	dma.local @!p0 [hbm:s6], $0xF7A  }
0x23: {  	s9 =	sor.u32 $0xD0000000, s2;
	s6 =	simm.s32 $0x108;
	_ =	swait.ge @!p0 [sflag:s8], $0x0  }
0x24: {  	s3 =	sadd.s32 $0x88, s3;
	s6 =	simm.s32 @!p1 $0x1082;
	[sflag:s4] =	ssyncset.s32 $0xFFFFF086  }
0x25: {  	[simem:s6], [sflag:s4] =	dma.local [hbm:s3], $0xF7A  }
0x26: {  	[smem:$0x3F9F] =	sst s1;
	(tag) =	ssettag s2;
	_ =	strace s9  }
0x27: {  	s1 =	sld [smem:$0x3FAF]  }
0x28: {  	s2 =	sld [smem:$0x3FB0]  }
0x29: {  	s4 =	sld [smem:$0x3FB2]  }
0x2a: {  	p0 =	seq.s32 s5, $0x0;
	s5 =	sld [smem:$0x3FB3]  }
0x2b: {  	s6 =	sld [smem:$0x3FB4]  }
0x2c: {  	s7 =	sld [smem:$0x3FB5]  }
0x2d: {  	s3 =	simm.s32 $0x108;
	s8 =	sld [smem:$0x3FB6]  }
0x2e: {  	s3 =	simm.s32 @!p0 $0x1082;
	s9 =	sld [smem:$0x3FB7]  }
0x2f: {  	lr =	sadd.s32 s0, s3;
	s0 =	sld [smem:$0x3FAE]  }
0x30: {  	s3 =	sld [smem:$0x3FB1]  }
0x31: {  	[smem:$0x3FBA] =	sst s10  }
0x32: {  	s10 =	sld [smem:$0x3FB8];
	_ =	sdelay $0x3  }
0x33: {  	p0 =	seq.s32 s10, $0x1;
	s10 =	sld [smem:$0x3FBA];
	_ =	sdelay $0x3  }
0x34: {  	[smem:$0x3FBA] =	sst s10  }
0x35: {  	s10 =	sld [smem:$0x3FB9];
	_ =	sdelay $0x3  }
0x36: {  	p1 =	seq.s32 s10, $0x1;
	s10 =	sld [smem:$0x3FBA];
	_ =	sdelay $0x3  }
0x37: {  	[smem:$0x3FBA] =	sst s10  }
0x38: {  	s10 =	sld [smem:$0x3FBB]  }
0x39: {  	_ = 	snop;
	(pc) =	sbr.ind lr, $3  }
0x3a: {  	_ = 	snop  }
0x3b: {  	_ = 	snop  }
0x3c: {  	p2 =	seq.s32 s10, $0x1;
	s10 =	sld [smem:$0x3FBA]  }
0x3d: {  	_ =	shalt  }
0x3e: {  	_ =	shalt  }
0x3f: {  	_ =	shalt  }
0x40: {  	_ =	shalt  }
0x41: {  	_ =	shalt  }
0x42: {  	_ =	shalt  }
0x43: {  	_ =	shalt  }
0x44: {  	_ =	shalt  }
0x45: {  	_ =	shalt  }
0x46: {  	_ =	shalt  }
0x47: {  	_ =	shalt  }
0x48: {  	_ =	shalt  }
0x49: {  	_ =	shalt  }
0x4a: {  	_ =	shalt  }
0x4b: {  	_ =	shalt  }
0x4c: {  	_ =	shalt  }
0x4d: {  	_ =	shalt  }
0x4e: {  	_ =	shalt  }
0x4f: {  	_ =	shalt  }
0x50: {  	_ =	shalt  }
0x51: {  	_ =	shalt  }
0x52: {  	_ =	shalt  }
0x53: {  	_ =	shalt  }
0x54: {  	_ =	shalt  }
0x55: {  	_ =	shalt  }
0x56: {  	_ =	shalt  }
0x57: {  	_ =	shalt  }
0x58: {  	_ =	shalt  }
0x59: {  	_ =	shalt  }
0x5a: {  	_ =	shalt  }
0x5b: {  	_ =	shalt  }
0x5c: {  	_ =	shalt  }
0x5d: {  	_ =	shalt  }
0x5e: {  	_ =	shalt  }
0x5f: {  	_ =	shalt  }
0x60: {  	_ =	shalt  }
0x61: {  	_ =	shalt  }
0x62: {  	_ =	shalt  }
0x63: {  	_ =	shalt  }
0x64: {  	_ =	shalt  }
0x65: {  	_ =	shalt  }
0x66: {  	_ =	shalt  }
0x67: {  	_ =	shalt  }
0x68: {  	_ =	shalt  }
0x69: {  	_ =	shalt  }
0x6a: {  	_ =	shalt  }
0x6b: {  	_ =	shalt  }
0x6c: {  	_ =	shalt  }
0x6d: {  	_ =	shalt  }
0x6e: {  	_ =	shalt  }
0x6f: {  	_ =	shalt  }
0x70: {  	_ =	shalt  }
0x71: {  	_ =	shalt  }
0x72: {  	_ =	shalt  }
0x73: {  	_ =	shalt  }
0x74: {  	_ =	shalt  }
0x75: {  	_ =	shalt  }
0x76: {  	_ =	shalt  }
0x77: {  	_ =	shalt  }
0x78: {  	_ =	shalt  }
0x79: {  	_ =	shalt  }
0x7a: {  	_ =	shalt  }
0x7b: {  	_ =	shalt  }
0x7c: {  	_ =	shalt  }
0x7d: {  	_ =	shalt  }
0x7e: {  	_ =	shalt  }
0x7f: {  	_ =	shalt  }
0x80: {  	_ =	shalt  }
0x81: {  	_ =	shalt  }
0x82: {  	_ =	shalt  }
0x83: {  	_ =	shalt  }
0x84: {  	_ =	shalt  }
0x85: {  	_ =	shalt  }
0x86: {  	_ =	shalt  }
0x87: {  	_ =	shalt  }
.Lfunc_end0:
.L_simem_size_0:
called_computation_lowered:
.L_overlay_start_0:
0x88: {  	s2 =	sld [smem:$0x3FD9]  }
0x89: {  	s3 =	sld [smem:$0x3FFE];
	_ =	sdelay $0x1  }
0x8a: {  	s1 =	srdreg.scid  }
0x8b: {  	s0 =	sand.u32 $0x1, s1  }
0x8c: {  	s17 =	sshll.u32 s0, $0xA;
	s2 =	sadd.s32 s3, s2  }
0x8d: {  	s2 =	sadd.s32 s2, s17  }
0x8e: {  	[smem:$0x3FC6] =	sst s2  }
0x8f: {  	_ = 	snop  }
0x90: {  	(tm) =	ssettm $0x1  }
0x91: {  	s18 =	sld [smem:$0x3FFB];
	_ =	sdelay $0x3  }
0x92: {  	_ =	strace s18  }
0x93: {  	s2 =	sld [smem:$0x3FFC];
	_ =	sdelay $0x3  }
0x94: {  	_ =	strace s2  }
0x95: {  	s2 =	sld [smem:$0x3FFD];
	_ =	sdelay $0x3  }
0x96: {  	_ =	strace s2  }
0x97: {  	_ =	strace $0x8FFFFFFF  }
0x98: {  	s19 =	sld [smem:$0x3FDB];
	_ =	sdelay $0x1  }
0x99: {  	s20 =	simm.s32 $_scs_section_size  }
0x9a: {  	s4 =	simm.s32 $_size__tile_overlayer_lowered;
	s5 =	simm.s32 $_tile_overlayer_lowered  }
0x9b: {  	s6 =	simm.s32 $0x1BFF;
	s21 =	sshll.u32 s5, $0x1;
	s3 =	sadd.s32 s20, s19  }
0x9c: {  	s22 =	simm.s32 $0x0;
	s4 =	sshll.u32 s4, $0x1;
	s5 =	sadd.s32 s21, s3  }
0x9d: {  	[timem:s22], [sflag:s6] =	dma.local [hbm:s5], s4  }
0x9e: {  	_ =	swait.ge [sflag:s6], s4  }
0x9f: {  	s4 =	ssub.s32 $0x0, s4;
	[sflag:s6] =	ssyncset.done $0x0  }
0xa0: {  	[sflag:s6] =	ssyncadd.s32 s4;
	_ =	sdelay $0x1  }
0xa1: {  	s23 =	simm.s32 $0x1B8B  }
0xa2: {  	_ =	swait.ge [sflag:s23], $0x1  }
0xa3: {  	[sflag:s23] =	ssyncset.done $0x0  }
0xa4: {  	[sflag:s23] =	ssyncadd.s32 $0xFFFFFFFF  }
0xa5: {  	s4 =	sld [smem:$0x0]  }
0xa6: {  	s5 =	sand.u32 $0xFFFFFFFE, s1  }
0xa7: {  	p0 =	sne.s32 s1, s5  }
0xa8: {  	s5 =	sshll.u32 @p0 s5, $0xE  }
0xa9: {  	s5 =	sadd.s32 @p0 $0x11B8D, s5;
	s6 =	sshll.u32 @p0 s4, $0x11  }
0xaa: {  	s5 =	sor.u32 @p0 s6, s5  }
0xab: {  	[sflag:s5] =	ssyncadd.remote.s32 @p0 $0x1;
	_ =	sdelay $0x1  }
0xac: {  	s5 =	simm.s32 @p0 $0x1B8D  }
0xad: {  	_ =	swait.eq @p0 [sflag:s5], $0x1  }
0xae: {  	[sflag:s5] =	ssyncadd.s32 @p0 $0xFFFFFFFF  }
0xaf: {  	s6 =	sshll.u32 @!p0 s1, $0xE  }
0xb0: {  	s6 =	sor.u32 @!p0 $0x4000, s6;
	s5 =	simm.s32 @!p0 $0x1B8D  }
0xb1: {  	s4 =	sshll.u32 @!p0 s4, $0x11;
	s6 =	sadd.s32 @!p0 $0x11B8D, s6;
	_ =	swait.eq @!p0 [sflag:s5], $0x1  }
0xb2: {  	s4 =	sor.u32 @!p0 s4, s6;
	[sflag:s5] =	ssyncadd.s32 @!p0 $0xFFFFFFFF  }
0xb3: {  	s25 =	simm.s32 $0x1B8E;
	s24 =	sld [smem:$0x3FFE];
	[sflag:s4] =	ssyncadd.remote.s32 @!p0 $0x1  }
0xb4: {  	s26 =	simm.s32 $execute0_lowered;
	[smem:$0x3FD2] =	sst s25  }
0xb5: {  	s5 =	sshll.u32 s26, $0x1;
	_ =	strace $0x80000049;
	[dreg:$0x1] =	wrdreg $0xFFFFFFFF  }
0xb6: {  	s28 =	simm.s32 $_size_execute0_lowered;
	s3 =	sadd.s32 s3, s5;
	[dreg:$0x0] =	wrdreg $0x0  }
0xb7: {  	s5 =	sshll.u32 s28, $0x1;
	[dreg:$0x2] =	wrdreg s3  }
0xb8: {  	[dreg:$0x3] =	wrdreg s5  }
0xb9: {  	[dreg:$0x4] =	wrdreg $0xC0  }
0xba: {  	_ =	task [dreg:s22], $0x5FFFF  }
0xbb: {  	[dreg:$0x1] =	wrdreg $0xFFFFFFFF  }
0xbc: {  	[dreg:$0x0] =	wrdreg $0x60  }
0xbd: {  	[dreg:$0x2] =	wrdreg s24  }
0xbe: {  	[dreg:$0x3] =	wrdreg $0x9  }
0xbf: {  	_ =	task.clear_ibuf [dreg:s22], $0x4FFFF;
	_ =	strace $0x90000049  }
0xc0: {  	s29 =	simm.s32 $0x9;
	_ =	strace $0x8000004B  }
0xc1: {  	_ =	swait.ge [sflag:s29], $0x1  }
0xc2: {  	[sflag:s29] =	ssyncadd.s32 $0xFFFFFFFF  }
0xc3: {  	_ =	strace $0x9000004B  }
0xc4: {  	_ =	sfence  }
0xc5: {  	s30 =	sld [smem:$0x0];
	_ =	sdelay $0x2  }
0xc6: {  	s31 =	sshll.u32 s1, $0xD;
	s1 =	sshrl.u32 s1, $0x2  }
0xc7: {  	s4 =	sand.u32 $0x4000, s31;
	s1 =	sadd.s32 s1, s30  }
0xc8: {  	s0 =	sor.u32 s4, s0;
	s1 =	sshll.u32 s1, $0x11  }
0xc9: {  	s0 =	sor.u32 s1, s0  }
0xca: {  	s0 =	sadd.s32 $0x8F2B, s0  }
0xcb: {  	[sflag:s0] =	ssyncadd.remote.s32 $0x1  }
0xcc: {  	_ =	sfence.sel $0xFFFF  }
0xcd: {  	[dreg:$0x0] =	wrdreg $0xFFFFFFFF;
	(pc) =	sbr.abs _section_cstart, $3  }
0xce: {  	[dreg:$0x1] =	wrdreg $0xFFFFFFFF  }
0xcf: {  	_ =	task.clear_ibuf [dreg:s22], $0x2FFFF;
	_ =	strace $0x9FFFFFFF  }
0xd0: {  	(tm) =	ssettm $0x7FFFFFFF  }
0xd1: {  	_ =	shalt  }
tec
execute0_lowered:
.L_overlay_start_1:
0x0: {  	(tag) =	ssettag $0x1  }
0x1: {  	s1 =	srdreg.scid;
	s0 =	stileid.u32  }
0x2: {  	s3 =	rddreg [dreg:$0x0];
	s2 =	simm.s32 $0x0;
	s8 =	simm.s32 $0x0  }
0x3: {  	s4 =	sand.u32 $0x1, s1;
	s5 =	sshll.u32 s0, $0x1;
	s1 =	rddreg [dreg:$0x1]  }
0x4: {  	[smem:$0x7FF] =	sst s2;
	s5 =	sor.u32 s4, s5;
	s4 =	ssub.s32 $0x2, s4  }
0x5: {  	s6 =	smul.u32 $0x680, s5;
	s5 =	sshll.u32 s5, $0xB;
	s7 =	sshrl.u32 s4, $0x1  }
0x6: {  	_ =	strace $0x8000004A;
	s5 =	sadd.s32 s5, s3;
	s7 =	ssub.s32 s4, s7  }
0x7: {  	s6 =	sadd.s32 s6, s3;
	s3 =	sadd.s32 $0x1E200, s5;
	s5 =	smax.u32 s7, $0x1  }
0x8: {  	v0 =	vimm.f32 $0.0e+00;
	v1 =	vimm.f32 $1.000000000e+00;
	s7 =	simm.s32 $0x4000;
	s4 =	sadd.s32 $0x2E200, s6;
	s6 =	simm.s32 $0x1  }
.LBB2_1:
0x9: {  	s9 =	simm.s32 $0x0;
	s10 =	simm.s32 $0x200  }
.LBB2_2:
0xa: {  	p0 =	sne.s32 s10, $0xC600;
	[tilespmem:s9+$0x4070] =	vst v0  }
0xb: {  	[tilespmem:s9+$0x4000] =	vst v0  }
0xc: {  	[tilespmem:s9+$0x4010] =	vst v0  }
.Ltmp0:
0xd: {  	[tilespmem:s9+$0x4020] =	vst v0;
	(pc) =	sbr.rel @p0 .LBB2_2-.Ltmp0, $4  }
0xe: {  	[tilespmem:s9+$0x4030] =	vst v0  }
0xf: {  	[tilespmem:s9+$0x4040] =	vst v0  }
0x10: {  	[tilespmem:s9+$0x4050] =	vst v0  }
0x11: {  	[tilespmem:s9+$0x4060] =	vst v0;
	s9 =	sshra.s32 s10, $0x2;
	s10 =	sadd.s32 $0x200, s10  }
0x12: {  	[tilespmem:s9+$0x4070] =	vst v0  }
0x13: {  	[tilespmem:s9+$0x4000] =	vst v0  }
0x14: {  	[tilespmem:s9+$0x4010] =	vst v0  }
0x15: {  	[tilespmem:s9+$0x4020] =	vst v0  }
0x16: {  	[tilespmem:s9+$0x4030] =	vst v0  }
0x17: {  	[tilespmem:s9+$0x4040] =	vst v0  }
0x18: {  	[tilespmem:s9+$0x4050] =	vst v0  }
0x19: {  	[tilespmem:s9+$0x4060] =	vst v0;
	s9 =	simm.s32 $0x0  }
0x1a: {  	[tilespmem:s9], [sflag:$0x1] =	stream.linear.gather [hbm4b:s3+s9], $0x4000, $0x38;
	[tilespmem:$0x7400] =	vst v63  }
0x1b: {  	_ =	swait.ge [sflag:s6], $0x4000  }
0x1c: {  	[sflag:s6] =	ssyncset.done $0x0  }
0x1d: {  	[sflag:s6] =	ssyncadd.s32 $0xFFFFC000  }
.LBB2_4:
0x1e: {  	s10 =	sshra.s32 s9, $0x2  }
0x1f: {  	v2 =	vld [tilespmem:s10+$0x0];
	_ =	sdelay $0x7  }
0x20: {  	[tilespmem:v2+s7+$0x0] =	vst.idx.add.f32.msk $0xffff, v1  }
0x21: {  	v2 =	vld [tilespmem:s10+$0x10];
	_ =	sdelay $0x7  }
0x22: {  	[tilespmem:v2+s7+$0x0] =	vst.idx.add.f32.msk $0xffff, v1  }
0x23: {  	v2 =	vld [tilespmem:s10+$0x20];
	_ =	sdelay $0x7  }
0x24: {  	[tilespmem:v2+s7+$0x0] =	vst.idx.add.f32.msk $0xffff, v1  }
0x25: {  	v2 =	vld [tilespmem:s10+$0x30];
	_ =	sdelay $0x2  }
0x26: {  	p0 =	sne.s32 s9, $0xFF00  }
.Ltmp1:
0x27: {  	_ = 	snop;
	(pc) =	sbr.rel @p0 .LBB2_4-.Ltmp1, $2  }
0x28: {  	_ =	sdelay $0x2  }
0x29: {  	s9 =	sadd.s32 $0x100, s9;
	[tilespmem:v2+s7+$0x0] =	vst.idx.add.f32.msk $0xffff, v1  }
0x2a: {  	s8 =	sadd.s32 $0x1, s8  }
0x2b: {  	p0 =	sne.s32 s8, s5  }
.Ltmp2:
0x2c: {  	_ = 	snop;
	(pc) =	sbr.rel @p0 .LBB2_1-.Ltmp2, $4  }
0x2d: {  	[hbm4b:s4+s2] =	stream.linear.scatter [tilespmem:s7], [sflag:$0x1], $0x3200, $0x38;
	[tilespmem:$0x7400] =	vst v63  }
0x2e: {  	_ =	swait.ge [sflag:s6], $0x3200  }
0x2f: {  	[sflag:s6] =	ssyncset.done $0x0  }
0x30: {  	[sflag:s6] =	ssyncadd.s32 $0xFFFFCE00  }
0x31: {  	_ =	sfence.sel $0x180000  }
0x32: {  	[bflag:$0x0] =	sbarrier.arrive $0xFFFF  }
0x33: {  	p0 =	sne.s32 s0, $0x0;
	_ =	strace $0x9000004A  }
0x34: {  	s0 =	sadd.s32 @!p0 $0x100000, s1;
	[bflag:$0x2] =	sbarrier.arrive $0xFFFF  }
0x35: {  	[sflag:s0] =	ssyncadd.tile.s32 @!p0 $0x1;
	_ =	shalt  }
.Lfunc_end2:
_tile_overlayer_lowered:
.L_overlay_start_2:
0x36: {  	(tag) =	ssettag $0x2  }
0x37: {  	s0 =	rddreg [dreg:$0x0];
	s2 =	stileid.u32  }
0x38: {  	s1 =	rddreg [dreg:$0x1];
	p0 =	sne.s32 s2, $0x0  }
0x39: {  	s3 =	rddreg [dreg:$0x2];
	[bflag:$0x3] =	sbarrier.arrive $0xFFFF;
	s2 =	simm.s32 @!p0 $0x1C01  }
0x3a: {  	[timem:s3], [sflag:s2] =	dma.local @!p0 [hbm:s0], s1  }
0x3b: {  	s0 =	simm.s32 @!p0 $0x1  }
0x3c: {  	_ =	swait.ge @!p0 [sflag:s0], s1  }
0x3d: {  	s1 =	ssub.s32 @!p0 $0x0, s1;
	[sflag:s0] =	ssyncset.done @!p0 $0x0  }
0x3e: {  	[sflag:s0] =	ssyncadd.s32 @!p0 s1  }
0x3f: {  	[bflag:$0x3] =	sbarrier.arrive $0xFFFF  }
0x40: {  	_ =	shalt  }

</sc_bundles>
